<compile_context>
chip_gen: v7x
topology: tpu7x:2x2x1
jax: 0.10.2.dev20260603
libtpu: 0.0.44.dev20260713+nightly
codegen_flags: <defaults>
</compile_context>

<pallas_src>
import functools

import jax
import jax.numpy as jnp
from jax import lax
from jax.experimental import pallas as pl
from jax.experimental.pallas import tpu as pltpu

NPAD = 768
F32 = jnp.float32


def _leaky(x, slope):
    return jnp.where(x >= 0, x, slope * x)




def _proj_body(t_ref, w_ref, o_ref):
    o_ref[...] = jnp.dot(t_ref[...], w_ref[...], preferred_element_type=F32)


def _project_table(table, w):
    v, k = table.shape
    bm = 512
    grid = (pl.cdiv(v, bm),)
    return pl.pallas_call(
        _proj_body,
        grid=grid,
        in_specs=[
            pl.BlockSpec((bm, k), lambda i: (i, 0)),
            pl.BlockSpec((k, 128), lambda i: (0, 0)),
        ],
        out_specs=pl.BlockSpec((bm, 128), lambda i: (i, 0)),
        out_shape=jax.ShapeDtypeStruct((v, 128), F32),
    )(table, w)




def _mega_body(n_real, c_ref, xw_ref, gatw_ref, asrc_ref, adst_ref, gatb_ref,
               wog_ref, bog_ref, fc1_ref, fc1b_ref, fc2_ref, fc2b_ref,
               bin_ref, o_ref):
    c = c_ref[0]
    row = lax.broadcasted_iota(jnp.int32, (NPAD, NPAD), 0)
    col = lax.broadcasted_iota(jnp.int32, (NPAD, NPAD), 1)
    cf = c + jnp.where((row == col) & (row < n_real), 1.0, 0.0)
    mask = cf > 0
    deg = jnp.sum(cf, axis=1, keepdims=True)
    dinv = jnp.where(deg > 0, lax.rsqrt(deg), 0.0)

    rmask = lax.broadcasted_iota(jnp.int32, (NPAD, 1), 0) < n_real
    xw = jnp.where(rmask, xw_ref[0], 0.0)

    h = jnp.dot(cf, dinv * xw, preferred_element_type=F32) * dinv + bin_ref[...]
    h = _leaky(h, 0.01)

    for i in range(3):
        wg = gatw_ref[i]
        a_s = asrc_ref[i]
        a_d = adst_ref[i]
        bg = gatb_ref[i]

        def gat(hh, wg=wg, a_s=a_s, a_d=a_d, bg=bg):
            xwg = jnp.dot(hh, wg, preferred_element_type=F32)
            al_s = lax.dot_general(a_s, xwg, (((1,), (1,)), ((), ())),
                                   preferred_element_type=F32)
            al_d = lax.dot_general(xwg, a_d, (((1,), (1,)), ((), ())),
                                   preferred_element_type=F32)
            e = _leaky(al_d + al_s, 0.2)
            m = jnp.max(jnp.where(mask, e, -1e30), axis=1, keepdims=True)
            ex = jnp.where(mask, jnp.exp(e - m) * cf, 0.0)
            den = jnp.sum(ex, axis=1, keepdims=True)
            alpha = ex * (1.0 / (den + 1e-16))
            return jnp.dot(alpha, xwg, preferred_element_type=F32) + bg

        t = gat(h)
        h2 = _leaky(t, 0.01) + t
        h = _leaky(gat(h2), 0.01)

    hw = jnp.dot(h, wog_ref[...], preferred_element_type=F32)
    og = jnp.dot(cf, dinv * hw, preferred_element_type=F32) * dinv + bog_ref[...]
    og = _leaky(og, 0.01)

    h1 = jnp.sum(fc1_ref[...] * og, axis=0, keepdims=True) + fc1b_ref[...]
    h1 = _leaky(h1, 0.01)
    o_ref[0] = jnp.dot(h1, fc2_ref[...], preferred_element_type=F32) + fc2b_ref[...]


def _run_graph_stack(b, n_real, c, xw, gat_w, att_src, att_dst, gat_b,
                     w_og, b_og, fc1_w, fc1_b, fc2_w, fc2_b, b_in):
    fixed = lambda *z: tuple(0 for _ in z)
    out = pl.pallas_call(
        functools.partial(_mega_body, n_real),
        grid=(b,),
        in_specs=[
            pl.BlockSpec((1, NPAD, NPAD), lambda g: (g, 0, 0)),
            pl.BlockSpec((1, NPAD, 128), lambda g: (g, 0, 0)),
            pl.BlockSpec((3, 128, 128), lambda g: (0, 0, 0)),
            pl.BlockSpec((3, 1, 128), lambda g: (0, 0, 0)),
            pl.BlockSpec((3, 1, 128), lambda g: (0, 0, 0)),
            pl.BlockSpec((3, 1, 128), lambda g: (0, 0, 0)),
            pl.BlockSpec((128, 1), lambda g: (0, 0)),
            pl.BlockSpec((1, 1), lambda g: (0, 0)),
            pl.BlockSpec((NPAD, 128), lambda g: (0, 0)),
            pl.BlockSpec((1, 128), lambda g: (0, 0)),
            pl.BlockSpec((128, 128), lambda g: (0, 0)),
            pl.BlockSpec((1, 128), lambda g: (0, 0)),
            pl.BlockSpec((1, 128), lambda g: (0, 0)),
        ],
        out_specs=pl.BlockSpec((1, 1, 128), lambda g: (g, 0, 0)),
        out_shape=jax.ShapeDtypeStruct((b, 1, 128), F32),
        compiler_params=pltpu.CompilerParams(
            dimension_semantics=("arbitrary",),
        ),
    )(c, xw, gat_w, att_src, att_dst, gat_b, w_og, b_og, fc1_w, fc1_b,
      fc2_w, fc2_b, b_in)
    return out.reshape(b, 128)




def kernel(feature, edges, weight, poi_emb, cat_emb, lat_emb, long_emb, W_in,
           b_in, gat_W, att_src, att_dst, gat_b, W_og, b_og, fc1_W, fc1_b,
           fc2_W, fc2_b):
    b, n, _ = feature.shape
    e = edges.shape[2]
    nn = b * n

    tpoi = _project_table(poi_emb, W_in[0:300])
    tcat = _project_table(cat_emb, W_in[300:400])
    tlat = _project_table(lat_emb, W_in[400:600])
    tlon = _project_table(long_emb, W_in[600:800])

    f = feature.reshape(nn, 5)
    xw = tpoi[f[:, 0]] + tcat[f[:, 1]] + tlat[f[:, 3]] + tlon[f[:, 4]]
    xw = jnp.pad(xw.reshape(b, n, 128), ((0, 0), (0, NPAD - n), (0, 0)))

    src = edges[:, 0, :].astype(jnp.int32)
    dst = edges[:, 1, :].astype(jnp.int32)
    flat = (jnp.arange(b, dtype=jnp.int32)[:, None] * (NPAD * NPAD)
            + dst * NPAD + src).reshape(-1)
    c = jax.ops.segment_sum(jnp.ones((b * e,), F32), flat,
                            num_segments=b * NPAD * NPAD)
    c = c.reshape(b, NPAD, NPAD)

    return _run_graph_stack(
        b, n, c, xw, gat_W,
        att_src.reshape(3, 1, 128), att_dst.reshape(3, 1, 128),
        gat_b.reshape(3, 1, 128), W_og, b_og.reshape(1, 1),
        jnp.pad(fc1_W, ((0, NPAD - n), (0, 0))), fc1_b.reshape(1, 128),
        fc2_W, fc2_b.reshape(1, 128), b_in.reshape(1, 128))

# --- scband reference (transcript-rebuilt; emitter-appended) ---
"""Pipeline reference for scband-user-graph-net-40157944217636 (READ-ONLY COPY).

The authoritative reference and input builder live on the scoring server;
editing this copy changes nothing except your own understanding.
"""

import jax, jax.numpy as jnp
import numpy as np


def _leaky(x, slope=0.01):
    return jnp.where(x >= 0, x, slope * x)


def _gcn_conv(x, src, dst, n, W, b):
    # PyG GCNConv: add self-loops, symmetric normalization, then scatter-add at dst.
    xw = x @ W
    loop = jnp.arange(n)
    s = jnp.concatenate([src, loop])
    d = jnp.concatenate([dst, loop])
    deg = jax.ops.segment_sum(jnp.ones(s.shape[0], xw.dtype), d, num_segments=n)
    dinv = jnp.where(deg > 0, deg ** -0.5, 0.0)
    norm = dinv[s] * dinv[d]
    out = jax.ops.segment_sum(xw[s] * norm[:, None], d, num_segments=n)
    return out + b


def _gat_conv(x, src, dst, n, W, a_s, a_d, b):
    # PyG GATConv (heads=1): lin (no bias), add self-loops, edge softmax over dst, scatter-add.
    xw = x @ W
    loop = jnp.arange(n)
    s = jnp.concatenate([src, loop])
    d = jnp.concatenate([dst, loop])
    al_s = xw @ a_s
    al_d = xw @ a_d
    e = al_s[s] + al_d[d]
    e = jnp.where(e >= 0, e, 0.2 * e)
    m = jax.ops.segment_max(e, d, num_segments=n)
    ex = jnp.exp(e - m[d])
    den = jax.ops.segment_sum(ex, d, num_segments=n)
    alpha = ex / (den[d] + 1e-16)
    out = jax.ops.segment_sum(xw[s] * alpha[:, None], d, num_segments=n)
    return out + b


def _forward(feature, edges, weight, poi_emb, cat_emb, lat_emb, long_emb, W_in, b_in, gat_W, att_src, att_dst, gat_b, W_og, b_og, fc1_W, fc1_b, fc2_W, fc2_b):
    B, N, _ = feature.shape
    n = B * N
    poi = poi_emb[feature[:, :, 0]]
    cat = cat_emb[feature[:, :, 1]]
    lat = lat_emb[feature[:, :, 3]]
    lon = long_emb[feature[:, :, 4]]
    x = jnp.concatenate([poi, cat, lat, lon], axis=2).reshape(n, -1)
    # PyG DataLoader batching: offset each graph's edge indices by graph_id * num_nodes
    offs = (jnp.arange(B) * N)[:, None]
    src = (edges[:, 0, :] + offs).reshape(-1)
    dst = (edges[:, 1, :] + offs).reshape(-1)
    h = _leaky(_gcn_conv(x, src, dst, n, W_in, b_in))
    # AGCNUnit: note the original assigns self.cov twice, so the SAME GATConv is applied twice.
    for i in range(gat_W.shape[0]):
        temp = _gat_conv(h, src, dst, n, gat_W[i], att_src[i], att_dst[i], gat_b[i])
        h2 = _leaky(temp) + temp
        h2 = _gat_conv(h2, src, dst, n, gat_W[i], att_src[i], att_dst[i], gat_b[i])
        h = _leaky(h2)
    h = _leaky(_gcn_conv(h, src, dst, n, W_og, b_og))
    h = h.reshape(B, -1)
    h1 = _leaky(h @ fc1_W + fc1_b)
    return h1 @ fc2_W + fc2_b


def setup_inputs(seed: int = 0):
    key = jax.random.key(seed)
    ks = jax.random.split(key, 24)
    B, N, E = 64, 714, 8192
    sc = 0.02
    inp = {
        "feature": jax.random.randint(ks[0], (B, N, 5), 0, 400),
        "edges": jax.random.randint(ks[1], (B, 2, E), 0, N),
        "weight": jax.random.normal(ks[2], (B, E, 2), dtype=jnp.float32),
        "poi_emb": jax.random.normal(ks[3], (5099, 300), dtype=jnp.float32) * sc,
        "cat_emb": jax.random.normal(ks[4], (400, 100), dtype=jnp.float32) * sc,
        "lat_emb": jax.random.normal(ks[5], (7128, 200), dtype=jnp.float32) * sc,
        "long_emb": jax.random.normal(ks[6], (6394, 200), dtype=jnp.float32) * sc,
        "W_in": jax.random.normal(ks[7], (800, 128), dtype=jnp.float32) * sc,
        "b_in": jnp.zeros((128,), jnp.float32),
        "gat_W": jax.random.normal(ks[8], (3, 128, 128), dtype=jnp.float32) * sc,
        "att_src": jax.random.normal(ks[9], (3, 128), dtype=jnp.float32) * sc,
        "att_dst": jax.random.normal(ks[10], (3, 128), dtype=jnp.float32) * sc,
        "gat_b": jnp.zeros((3, 128), jnp.float32),
        "W_og": jax.random.normal(ks[11], (128, 1), dtype=jnp.float32) * sc,
        "b_og": jnp.zeros((1,), jnp.float32),
        "fc1_W": jax.random.normal(ks[12], (714, 128), dtype=jnp.float32) * sc,
        "fc1_b": jnp.zeros((128,), jnp.float32),
        "fc2_W": jax.random.normal(ks[13], (128, 128), dtype=jnp.float32) * sc,
        "fc2_b": jnp.zeros((128,), jnp.float32),
    }
    return inp


def reference(feature, edges, weight, poi_emb, cat_emb, lat_emb, long_emb, W_in, b_in, gat_W, att_src, att_dst, gat_b, W_og, b_og, fc1_W, fc1_b, fc2_W, fc2_b):
    return _forward(feature, edges, weight, poi_emb, cat_emb, lat_emb, long_emb, W_in, b_in, gat_W, att_src, att_dst, gat_b, W_og, b_og, fc1_W, fc1_b, fc2_W, fc2_b)

if __name__ == "__main__":
    import jax
    _d = setup_inputs()
    print(jax.jit(kernel)(*tuple(_d.values())))

</pallas_src>

<mosaic_0001>
module attributes {stable_mosaic.version = 14 : i64} {
  func.func @_proj_body(%arg0: i32, %arg1: memref<512x200xf32, #tpu.memory_space<vmem>>, %arg2: memref<200x128xf32, #tpu.memory_space<vmem>>, %arg3: memref<512x128xf32, #tpu.memory_space<vmem>>) attributes {dimension_semantics = [#tpu.dimension_semantics<arbitrary>], iteration_bounds = array<i64: 13>, scalar_prefetch = 0 : i64, scratch_operands = 0 : i64, tpu.core_type = #tpu.core_type<tc>, window_params = [{transform_indices = @transform_0, window_bounds = array<i64: 512, 200>}, {pipeline_mode = #tpu.pipeline_mode<synchronous>, transform_indices = @transform_1, window_bounds = array<i64: 200, 128>}, {transform_indices = @transform_2, window_bounds = array<i64: 512, 128>}]} {
    %get3A = arith.constant 0 : index
    %get3A_0 = arith.constant 0 : index
    %get3A_1 = vector.load %arg1[%get3A, %get3A_0] : memref<512x200xf32, #tpu.memory_space<vmem>>, vector<512x200xf32>
    %get3A_2 = arith.constant 0 : index
    %get3A_3 = arith.constant 0 : index
    %get3A_4 = vector.load %arg2[%get3A_2, %get3A_3] : memref<200x128xf32, #tpu.memory_space<vmem>>, vector<200x128xf32>
    %dot_general3A = arith.constant dense<0.000000e+00> : vector<512x128xf32>
    %dot_general3A_5 = tpu.matmul %get3A_1, %get3A_4, %dot_general3A {dimension_numbers = #tpu.dot_dimension_numbers<[1], [0], [0], [1], [0, 0, 1, 1], [], []>, transpose_lhs_hint = false} : vector<512x200xf32>, vector<200x128xf32>, vector<512x128xf32> -> vector<512x128xf32>
    %swap3A = arith.constant 0 : index
    %swap3A_6 = arith.constant 0 : index
    %swap3A_7 = vector.load %arg3[%swap3A, %swap3A_6] : memref<512x128xf32, #tpu.memory_space<vmem>>, vector<512x128xf32>
    tpu.vector_store %arg3[%swap3A, %swap3A_6], %dot_general3A_5 {strides = array<i32>} : memref<512x128xf32, #tpu.memory_space<vmem>>, vector<512x128xf32>,
    return
  }
  func.func @transform_0(%arg0: i32) -> (i32, i32) {
    %c0_i32 = arith.constant 0 : i32
    %c0_i32_0 = arith.constant 0 : i32
    return %arg0, %c0_i32 : i32, i32
  }
  func.func @transform_1(%arg0: i32) -> (i32, i32) {
    %c0_i32 = arith.constant 0 : i32
    %c0_i32_0 = arith.constant 0 : i32
    %c0_i32_1 = arith.constant 0 : i32
    return %c0_i32, %c0_i32_0 : i32, i32
  }
  func.func @transform_2(%arg0: i32) -> (i32, i32) {
    %c0_i32 = arith.constant 0 : i32
    %c0_i32_0 = arith.constant 0 : i32
    return %arg0, %c0_i32 : i32, i32
  }
}

module attributes {stable_mosaic.version = 14 : i64} {
  func.func @_proj_body(%arg0: i32, %arg1: memref<512x200xf32, #tpu.memory_space<vmem>>, %arg2: memref<200x128xf32, #tpu.memory_space<vmem>>, %arg3: memref<512x128xf32, #tpu.memory_space<vmem>>) attributes {dimension_semantics = [#tpu.dimension_semantics<arbitrary>], iteration_bounds = array<i64: 14>, scalar_prefetch = 0 : i64, scratch_operands = 0 : i64, tpu.core_type = #tpu.core_type<tc>, window_params = [{transform_indices = @transform_0, window_bounds = array<i64: 512, 200>}, {pipeline_mode = #tpu.pipeline_mode<synchronous>, transform_indices = @transform_1, window_bounds = array<i64: 200, 128>}, {transform_indices = @transform_2, window_bounds = array<i64: 512, 128>}]} {
    %get3A = arith.constant 0 : index
    %get3A_0 = arith.constant 0 : index
    %get3A_1 = vector.load %arg1[%get3A, %get3A_0] : memref<512x200xf32, #tpu.memory_space<vmem>>, vector<512x200xf32>
    %get3A_2 = arith.constant 0 : index
    %get3A_3 = arith.constant 0 : index
    %get3A_4 = vector.load %arg2[%get3A_2, %get3A_3] : memref<200x128xf32, #tpu.memory_space<vmem>>, vector<200x128xf32>
    %dot_general3A = arith.constant dense<0.000000e+00> : vector<512x128xf32>
    %dot_general3A_5 = tpu.matmul %get3A_1, %get3A_4, %dot_general3A {dimension_numbers = #tpu.dot_dimension_numbers<[1], [0], [0], [1], [0, 0, 1, 1], [], []>, transpose_lhs_hint = false} : vector<512x200xf32>, vector<200x128xf32>, vector<512x128xf32> -> vector<512x128xf32>
    %swap3A = arith.constant 0 : index
    %swap3A_6 = arith.constant 0 : index
    %swap3A_7 = vector.load %arg3[%swap3A, %swap3A_6] : memref<512x128xf32, #tpu.memory_space<vmem>>, vector<512x128xf32>
    tpu.vector_store %arg3[%swap3A, %swap3A_6], %dot_general3A_5 {strides = array<i32>} : memref<512x128xf32, #tpu.memory_space<vmem>>, vector<512x128xf32>,
    return
  }
  func.func @transform_0(%arg0: i32) -> (i32, i32) {
    %c0_i32 = arith.constant 0 : i32
    %c0_i32_0 = arith.constant 0 : i32
    return %arg0, %c0_i32 : i32, i32
  }
  func.func @transform_1(%arg0: i32) -> (i32, i32) {
    %c0_i32 = arith.constant 0 : i32
    %c0_i32_0 = arith.constant 0 : i32
    %c0_i32_1 = arith.constant 0 : i32
    return %c0_i32, %c0_i32_0 : i32, i32
  }
  func.func @transform_2(%arg0: i32) -> (i32, i32) {
    %c0_i32 = arith.constant 0 : i32
    %c0_i32_0 = arith.constant 0 : i32
    return %arg0, %c0_i32 : i32, i32
  }
}

module attributes {stable_mosaic.version = 14 : i64} {
  func.func @_proj_body(%arg0: i32, %arg1: memref<512x300xf32, #tpu.memory_space<vmem>>, %arg2: memref<300x128xf32, #tpu.memory_space<vmem>>, %arg3: memref<512x128xf32, #tpu.memory_space<vmem>>) attributes {dimension_semantics = [#tpu.dimension_semantics<arbitrary>], iteration_bounds = array<i64: 10>, scalar_prefetch = 0 : i64, scratch_operands = 0 : i64, tpu.core_type = #tpu.core_type<tc>, window_params = [{transform_indices = @transform_0, window_bounds = array<i64: 512, 300>}, {pipeline_mode = #tpu.pipeline_mode<synchronous>, transform_indices = @transform_1, window_bounds = array<i64: 300, 128>}, {transform_indices = @transform_2, window_bounds = array<i64: 512, 128>}]} {
    %get3A = arith.constant 0 : index
    %get3A_0 = arith.constant 0 : index
    %get3A_1 = vector.load %arg1[%get3A, %get3A_0] : memref<512x300xf32, #tpu.memory_space<vmem>>, vector<512x300xf32>
    %get3A_2 = arith.constant 0 : index
    %get3A_3 = arith.constant 0 : index
    %get3A_4 = vector.load %arg2[%get3A_2, %get3A_3] : memref<300x128xf32, #tpu.memory_space<vmem>>, vector<300x128xf32>
    %dot_general3A = arith.constant dense<0.000000e+00> : vector<512x128xf32>
    %dot_general3A_5 = tpu.matmul %get3A_1, %get3A_4, %dot_general3A {dimension_numbers = #tpu.dot_dimension_numbers<[1], [0], [0], [1], [0, 0, 1, 1], [], []>, transpose_lhs_hint = false} : vector<512x300xf32>, vector<300x128xf32>, vector<512x128xf32> -> vector<512x128xf32>
    %swap3A = arith.constant 0 : index
    %swap3A_6 = arith.constant 0 : index
    %swap3A_7 = vector.load %arg3[%swap3A, %swap3A_6] : memref<512x128xf32, #tpu.memory_space<vmem>>, vector<512x128xf32>
    tpu.vector_store %arg3[%swap3A, %swap3A_6], %dot_general3A_5 {strides = array<i32>} : memref<512x128xf32, #tpu.memory_space<vmem>>, vector<512x128xf32>,
    return
  }
  func.func @transform_0(%arg0: i32) -> (i32, i32) {
    %c0_i32 = arith.constant 0 : i32
    %c0_i32_0 = arith.constant 0 : i32
    return %arg0, %c0_i32 : i32, i32
  }
  func.func @transform_1(%arg0: i32) -> (i32, i32) {
    %c0_i32 = arith.constant 0 : i32
    %c0_i32_0 = arith.constant 0 : i32
    %c0_i32_1 = arith.constant 0 : i32
    return %c0_i32, %c0_i32_0 : i32, i32
  }
  func.func @transform_2(%arg0: i32) -> (i32, i32) {
    %c0_i32 = arith.constant 0 : i32
    %c0_i32_0 = arith.constant 0 : i32
    return %arg0, %c0_i32 : i32, i32
  }
}

module attributes {stable_mosaic.version = 14 : i64} {
  func.func @_proj_body(%arg0: i32, %arg1: memref<512x100xf32, #tpu.memory_space<vmem>>, %arg2: memref<100x128xf32, #tpu.memory_space<vmem>>, %arg3: memref<512x128xf32, #tpu.memory_space<vmem>>) attributes {dimension_semantics = [#tpu.dimension_semantics<arbitrary>], iteration_bounds = array<i64: 1>, scalar_prefetch = 0 : i64, scratch_operands = 0 : i64, tpu.core_type = #tpu.core_type<tc>, window_params = [{transform_indices = @transform_0, window_bounds = array<i64: 512, 100>}, {pipeline_mode = #tpu.pipeline_mode<synchronous>, transform_indices = @transform_1, window_bounds = array<i64: 100, 128>}, {transform_indices = @transform_2, window_bounds = array<i64: 512, 128>}]} {
    %get3A = arith.constant 0 : index
    %get3A_0 = arith.constant 0 : index
    %get3A_1 = vector.load %arg1[%get3A, %get3A_0] : memref<512x100xf32, #tpu.memory_space<vmem>>, vector<512x100xf32>
    %get3A_2 = arith.constant 0 : index
    %get3A_3 = arith.constant 0 : index
    %get3A_4 = vector.load %arg2[%get3A_2, %get3A_3] : memref<100x128xf32, #tpu.memory_space<vmem>>, vector<100x128xf32>
    %dot_general3A = arith.constant dense<0.000000e+00> : vector<512x128xf32>
    %dot_general3A_5 = tpu.matmul %get3A_1, %get3A_4, %dot_general3A {dimension_numbers = #tpu.dot_dimension_numbers<[1], [0], [0], [1], [0, 0, 1, 1], [], []>, transpose_lhs_hint = false} : vector<512x100xf32>, vector<100x128xf32>, vector<512x128xf32> -> vector<512x128xf32>
    %swap3A = arith.constant 0 : index
    %swap3A_6 = arith.constant 0 : index
    %swap3A_7 = vector.load %arg3[%swap3A, %swap3A_6] : memref<512x128xf32, #tpu.memory_space<vmem>>, vector<512x128xf32>
    tpu.vector_store %arg3[%swap3A, %swap3A_6], %dot_general3A_5 {strides = array<i32>} : memref<512x128xf32, #tpu.memory_space<vmem>>, vector<512x128xf32>,
    return
  }
  func.func @transform_0(%arg0: i32) -> (i32, i32) {
    %c0_i32 = arith.constant 0 : i32
    %c0_i32_0 = arith.constant 0 : i32
    return %arg0, %c0_i32 : i32, i32
  }
  func.func @transform_1(%arg0: i32) -> (i32, i32) {
    %c0_i32 = arith.constant 0 : i32
    %c0_i32_0 = arith.constant 0 : i32
    %c0_i32_1 = arith.constant 0 : i32
    return %c0_i32, %c0_i32_0 : i32, i32
  }
  func.func @transform_2(%arg0: i32) -> (i32, i32) {
    %c0_i32 = arith.constant 0 : i32
    %c0_i32_0 = arith.constant 0 : i32
    return %arg0, %c0_i32 : i32, i32
  }
}

module attributes {stable_mosaic.version = 14 : i64} {
  func.func @_mega_body(%arg0: i32, %arg1: memref<1x768x768xf32, #tpu.memory_space<vmem>>, %arg2: memref<1x768x128xf32, #tpu.memory_space<vmem>>, %arg3: memref<3x128x128xf32, #tpu.memory_space<vmem>>, %arg4: memref<3x1x128xf32, #tpu.memory_space<vmem>>, %arg5: memref<3x1x128xf32, #tpu.memory_space<vmem>>, %arg6: memref<3x1x128xf32, #tpu.memory_space<vmem>>, %arg7: memref<128x1xf32, #tpu.memory_space<vmem>>, %arg8: memref<1x1xf32, #tpu.memory_space<vmem>>, %arg9: memref<768x128xf32, #tpu.memory_space<vmem>>, %arg10: memref<1x128xf32, #tpu.memory_space<vmem>>, %arg11: memref<128x128xf32, #tpu.memory_space<vmem>>, %arg12: memref<1x128xf32, #tpu.memory_space<vmem>>, %arg13: memref<1x128xf32, #tpu.memory_space<vmem>>, %arg14: memref<1x1x128xf32, #tpu.memory_space<vmem>>) attributes {dimension_semantics = [#tpu.dimension_semantics<arbitrary>], iteration_bounds = array<i64: 64>, scalar_prefetch = 0 : i64, scratch_operands = 0 : i64, tpu.core_type = #tpu.core_type<tc>, window_params = [{transform_indices = @transform_0, window_bounds = array<i64: 1, 768, 768>}, {transform_indices = @transform_1, window_bounds = array<i64: 1, 768, 128>}, {pipeline_mode = #tpu.pipeline_mode<synchronous>, transform_indices = @transform_2, window_bounds = array<i64: 3, 128, 128>}, {pipeline_mode = #tpu.pipeline_mode<synchronous>, transform_indices = @transform_3, window_bounds = array<i64: 3, 1, 128>}, {pipeline_mode = #tpu.pipeline_mode<synchronous>, transform_indices = @transform_4, window_bounds = array<i64: 3, 1, 128>}, {pipeline_mode = #tpu.pipeline_mode<synchronous>, transform_indices = @transform_5, window_bounds = array<i64: 3, 1, 128>}, {pipeline_mode = #tpu.pipeline_mode<synchronous>, transform_indices = @transform_6, window_bounds = array<i64: 128, 1>}, {pipeline_mode = #tpu.pipeline_mode<synchronous>, transform_indices = @transform_7, window_bounds = array<i64: 1, 1>}, {pipeline_mode = #tpu.pipeline_mode<synchronous>, transform_indices = @transform_8, window_bounds = array<i64: 768, 128>}, {pipeline_mode = #tpu.pipeline_mode<synchronous>, transform_indices = @transform_9, window_bounds = array<i64: 1, 128>}, {pipeline_mode = #tpu.pipeline_mode<synchronous>, transform_indices = @transform_10, window_bounds = array<i64: 128, 128>}, {pipeline_mode = #tpu.pipeline_mode<synchronous>, transform_indices = @transform_11, window_bounds = array<i64: 1, 128>}, {pipeline_mode = #tpu.pipeline_mode<synchronous>, transform_indices = @transform_12, window_bounds = array<i64: 1, 128>}, {transform_indices = @transform_13, window_bounds = array<i64: 1, 1, 128>}]} {
    %get3A = arith.constant 0 : index
    %get3A_0 = arith.constant 0 : index
    %get3A_1 = arith.constant 0 : index
    %get3A_2 = vector.load %arg1[%get3A, %get3A_0, %get3A_1] : memref<1x768x768xf32, #tpu.memory_space<vmem>>, vector<1x768x768xf32>
    %get3A_3 = vector.shape_cast %get3A_2 : vector<1x768x768xf32> to vector<768x768xf32>
    %iota3A = tpu.iota {dimensions = array<i32: 0>} : vector<768x768xi32>
    %iota3A_4 = tpu.iota {dimensions = array<i32: 1>} : vector<768x768xi32>
    %eq3A = arith.cmpi eq, %iota3A, %iota3A_4 : vector<768x768xi32>
    %lt3A = arith.constant 714 : i32
    %lt3A_5 = vector.broadcast %lt3A : i32 to vector<768x768xi32>
    %lt3A_6 = arith.cmpi slt, %iota3A, %lt3A_5 : vector<768x768xi32>
    %and3A = arith.andi %eq3A, %lt3A_6 : vector<768x768xi1>
    %jit3A = arith.constant 1.000000e+00 : f32
    %jit3A_7 = arith.constant 0.000000e+00 : f32
    %broadcast_in_dim3A = vector.broadcast %jit3A : f32 to vector<768x768xf32>
    %broadcast_in_dim3A_8 = vector.broadcast %jit3A_7 : f32 to vector<768x768xf32>
    %select_n3A = arith.select %and3A, %broadcast_in_dim3A, %broadcast_in_dim3A_8 : vector<768x768xi1>, vector<768x768xf32>
    %add3A = arith.addf %get3A_3, %select_n3A : vector<768x768xf32>
    %gt3A = arith.constant 0.000000e+00 : f32
    %gt3A_9 = vector.broadcast %gt3A : f32 to vector<768x768xf32>
    %gt3A_10 = arith.cmpf ogt, %add3A, %gt3A_9 : vector<768x768xf32>
    %reduce_sum3A = arith.constant dense<0.000000e+00> : vector<768xf32>
    %reduce_sum3A_11 = vector.multi_reduction <add>, %add3A, %reduce_sum3A [1] : vector<768x768xf32> to vector<768xf32>
    %broadcast_in_dim3A_12 = vector.shape_cast %reduce_sum3A_11 : vector<768xf32> to vector<768x1xf32>
    %gt3A_13 = arith.constant 0.000000e+00 : f32
    %gt3A_14 = vector.broadcast %gt3A_13 : f32 to vector<768x1xf32>
    %gt3A_15 = arith.cmpf ogt, %broadcast_in_dim3A_12, %gt3A_14 : vector<768x1xf32>
    %rsqrt3A = math.rsqrt %broadcast_in_dim3A_12 : vector<768x1xf32>
    %jit3A_16 = arith.constant 0.000000e+00 : f32
    %broadcast_in_dim3A_17 = vector.broadcast %jit3A_16 : f32 to vector<768x1xf32>
    %select_n3A_18 = arith.select %gt3A_15, %rsqrt3A, %broadcast_in_dim3A_17 : vector<768x1xi1>, vector<768x1xf32>
    %iota3A_19 = tpu.iota {dimensions = array<i32: 0>} : vector<768x1xi32>
    %lt3A_20 = arith.constant 714 : i32
    %lt3A_21 = vector.broadcast %lt3A_20 : i32 to vector<768x1xi32>
    %lt3A_22 = arith.cmpi slt, %iota3A_19, %lt3A_21 : vector<768x1xi32>
    %get3A_23 = arith.constant 0 : index
    %get3A_24 = arith.constant 0 : index
    %get3A_25 = arith.constant 0 : index
    %get3A_26 = vector.load %arg2[%get3A_23, %get3A_24, %get3A_25] : memref<1x768x128xf32, #tpu.memory_space<vmem>>, vector<1x768x128xf32>
    %get3A_27 = vector.shape_cast %get3A_26 : vector<1x768x128xf32> to vector<768x128xf32>
    %jit3A_28 = arith.constant 0.000000e+00 : f32
    %broadcast_in_dim3A_29 = vector.shape_cast %lt3A_22 : vector<768x1xi1> to vector<768x1xi1>
    %broadcast_in_dim3A_30 = vector.broadcast %broadcast_in_dim3A_29 : vector<768x1xi1> to vector<768x128xi1>
    %broadcast_in_dim3A_31 = vector.broadcast %jit3A_28 : f32 to vector<768x128xf32>
    %select_n3A_32 = arith.select %broadcast_in_dim3A_30, %get3A_27, %broadcast_in_dim3A_31 : vector<768x128xi1>, vector<768x128xf32>
    %mul3A = vector.broadcast %select_n3A_18 : vector<768x1xf32> to vector<768x128xf32>
    %mul3A_33 = arith.mulf %mul3A, %select_n3A_32 : vector<768x128xf32>
    %dot_general3A = arith.constant dense<0.000000e+00> : vector<768x128xf32>
    %dot_general3A_34 = tpu.matmul %add3A, %mul3A_33, %dot_general3A {dimension_numbers = #tpu.dot_dimension_numbers<[1], [0], [0], [1], [0, 0, 1, 1], [], []>, transpose_lhs_hint = false} : vector<768x768xf32>, vector<768x128xf32>, vector<768x128xf32> -> vector<768x128xf32>
    %mul3A_35 = vector.broadcast %select_n3A_18 : vector<768x1xf32> to vector<768x128xf32>
    %mul3A_36 = arith.mulf %dot_general3A_34, %mul3A_35 : vector<768x128xf32>
    %get3A_37 = arith.constant 0 : index
    %get3A_38 = arith.constant 0 : index
    %get3A_39 = vector.load %arg13[%get3A_37, %get3A_38] : memref<1x128xf32, #tpu.memory_space<vmem>>, vector<1x128xf32>
    %add3A_40 = vector.broadcast %get3A_39 : vector<1x128xf32> to vector<768x128xf32>
    %add3A_41 = arith.addf %mul3A_36, %add3A_40 : vector<768x128xf32>
    %ge3A = arith.constant 0.000000e+00 : f32
    %ge3A_42 = vector.broadcast %ge3A : f32 to vector<768x128xf32>
    %ge3A_43 = arith.cmpf oge, %add3A_41, %ge3A_42 : vector<768x128xf32>
    %mul3A_44 = arith.constant 0.00999999977 : f32
    %mul3A_45 = vector.broadcast %mul3A_44 : f32 to vector<768x128xf32>
    %mul3A_46 = arith.mulf %mul3A_45, %add3A_41 : vector<768x128xf32>
    %select_n3A_47 = arith.select %ge3A_43, %add3A_41, %mul3A_46 : vector<768x128xi1>, vector<768x128xf32>
    %get3A_48 = arith.constant 0 : index
    %get3A_49 = arith.constant 0 : index
    %get3A_50 = arith.constant 0 : index
    %get3A_51 = vector.load %arg3[%get3A_48, %get3A_49, %get3A_50] : memref<3x128x128xf32, #tpu.memory_space<vmem>>, vector<1x128x128xf32>
    %get3A_52 = vector.shape_cast %get3A_51 : vector<1x128x128xf32> to vector<128x128xf32>
    %get3A_53 = arith.constant 0 : index
    %get3A_54 = arith.constant 0 : index
    %get3A_55 = arith.constant 0 : index
    %get3A_56 = vector.load %arg4[%get3A_53, %get3A_54, %get3A_55] : memref<3x1x128xf32, #tpu.memory_space<vmem>>, vector<1x1x128xf32>
    %get3A_57 = vector.shape_cast %get3A_56 : vector<1x1x128xf32> to vector<1x128xf32>
    %get3A_58 = arith.constant 0 : index
    %get3A_59 = arith.constant 0 : index
    %get3A_60 = arith.constant 0 : index
    %get3A_61 = vector.load %arg5[%get3A_58, %get3A_59, %get3A_60] : memref<3x1x128xf32, #tpu.memory_space<vmem>>, vector<1x1x128xf32>
    %get3A_62 = vector.shape_cast %get3A_61 : vector<1x1x128xf32> to vector<1x128xf32>
    %get3A_63 = arith.constant 0 : index
    %get3A_64 = arith.constant 0 : index
    %get3A_65 = arith.constant 0 : index
    %get3A_66 = vector.load %arg6[%get3A_63, %get3A_64, %get3A_65] : memref<3x1x128xf32, #tpu.memory_space<vmem>>, vector<1x1x128xf32>
    %get3A_67 = vector.shape_cast %get3A_66 : vector<1x1x128xf32> to vector<1x128xf32>
    %dot_general3A_68 = arith.constant dense<0.000000e+00> : vector<768x128xf32>
    %dot_general3A_69 = tpu.matmul %select_n3A_47, %get3A_52, %dot_general3A_68 {dimension_numbers = #tpu.dot_dimension_numbers<[1], [0], [0], [1], [0, 0, 1, 1], [], []>, transpose_lhs_hint = false} : vector<768x128xf32>, vector<128x128xf32>, vector<768x128xf32> -> vector<768x128xf32>
    %dot_general3A_70 = arith.constant dense<0.000000e+00> : vector<1x768xf32>
    %dot_general3A_71 = tpu.matmul %get3A_57, %dot_general3A_69, %dot_general3A_70 {dimension_numbers = #tpu.dot_dimension_numbers<[1], [1], [0], [0], [0, 0, 1, 0], [], []>, transpose_lhs_hint = false} : vector<1x128xf32>, vector<768x128xf32>, vector<1x768xf32> -> vector<1x768xf32>
    %dot_general3A_72 = arith.constant dense<0.000000e+00> : vector<768x1xf32>
    %dot_general3A_73 = tpu.matmul %dot_general3A_69, %get3A_62, %dot_general3A_72 {dimension_numbers = #tpu.dot_dimension_numbers<[1], [1], [0], [0], [0, 0, 1, 0], [], []>, transpose_lhs_hint = false} : vector<768x128xf32>, vector<1x128xf32>, vector<768x1xf32> -> vector<768x1xf32>
    %add3A_74 = vector.broadcast %dot_general3A_73 : vector<768x1xf32> to vector<768x768xf32>
    %add3A_75 = vector.broadcast %dot_general3A_71 : vector<1x768xf32> to vector<768x768xf32>
    %add3A_76 = arith.addf %add3A_74, %add3A_75 : vector<768x768xf32>
    %ge3A_77 = arith.constant 0.000000e+00 : f32
    %ge3A_78 = vector.broadcast %ge3A_77 : f32 to vector<768x768xf32>
    %ge3A_79 = arith.cmpf oge, %add3A_76, %ge3A_78 : vector<768x768xf32>
    %mul3A_80 = arith.constant 2.000000e-01 : f32
    %mul3A_81 = vector.broadcast %mul3A_80 : f32 to vector<768x768xf32>
    %mul3A_82 = arith.mulf %mul3A_81, %add3A_76 : vector<768x768xf32>
    %select_n3A_83 = arith.select %ge3A_79, %add3A_76, %mul3A_82 : vector<768x768xi1>, vector<768x768xf32>
    %jit3A_84 = arith.constant -1.000000e+30 : f32
    %broadcast_in_dim3A_85 = vector.broadcast %jit3A_84 : f32 to vector<768x768xf32>
    %select_n3A_86 = arith.select %gt3A_10, %select_n3A_83, %broadcast_in_dim3A_85 : vector<768x768xi1>, vector<768x768xf32>
    %reduce_max3A = arith.constant dense<0xFF800000> : vector<768xf32>
    %reduce_max3A_87 = vector.multi_reduction <maximumf>, %select_n3A_86, %reduce_max3A [1] : vector<768x768xf32> to vector<768xf32>
    %broadcast_in_dim3A_88 = vector.shape_cast %reduce_max3A_87 : vector<768xf32> to vector<768x1xf32>
    %sub3A = vector.broadcast %broadcast_in_dim3A_88 : vector<768x1xf32> to vector<768x768xf32>
    %sub3A_89 = arith.subf %select_n3A_83, %sub3A : vector<768x768xf32>
    %exp3A = math.exp %sub3A_89 : vector<768x768xf32>
    %mul3A_90 = arith.mulf %exp3A, %add3A : vector<768x768xf32>
    %jit3A_91 = arith.constant 0.000000e+00 : f32
    %broadcast_in_dim3A_92 = vector.broadcast %jit3A_91 : f32 to vector<768x768xf32>
    %select_n3A_93 = arith.select %gt3A_10, %mul3A_90, %broadcast_in_dim3A_92 : vector<768x768xi1>, vector<768x768xf32>
    %reduce_sum3A_94 = arith.constant dense<0.000000e+00> : vector<768xf32>
    %reduce_sum3A_95 = vector.multi_reduction <add>, %select_n3A_93, %reduce_sum3A_94 [1] : vector<768x768xf32> to vector<768xf32>
    %broadcast_in_dim3A_96 = vector.shape_cast %reduce_sum3A_95 : vector<768xf32> to vector<768x1xf32>
    %add3A_97 = arith.constant 1.000000e-16 : f32
    %add3A_98 = vector.broadcast %add3A_97 : f32 to vector<768x1xf32>
    %add3A_99 = arith.addf %broadcast_in_dim3A_96, %add3A_98 : vector<768x1xf32>
    %div3A = arith.constant 1.000000e+00 : f32
    %div3A_100 = vector.broadcast %div3A : f32 to vector<768x1xf32>
    %div3A_101 = arith.divf %div3A_100, %add3A_99 : vector<768x1xf32>
    %mul3A_102 = vector.broadcast %div3A_101 : vector<768x1xf32> to vector<768x768xf32>
    %mul3A_103 = arith.mulf %select_n3A_93, %mul3A_102 : vector<768x768xf32>
    %dot_general3A_104 = arith.constant dense<0.000000e+00> : vector<768x128xf32>
    %dot_general3A_105 = tpu.matmul %mul3A_103, %dot_general3A_69, %dot_general3A_104 {dimension_numbers = #tpu.dot_dimension_numbers<[1], [0], [0], [1], [0, 0, 1, 1], [], []>, transpose_lhs_hint = false} : vector<768x768xf32>, vector<768x128xf32>, vector<768x128xf32> -> vector<768x128xf32>
    %add3A_106 = vector.broadcast %get3A_67 : vector<1x128xf32> to vector<768x128xf32>
    %add3A_107 = arith.addf %dot_general3A_105, %add3A_106 : vector<768x128xf32>
    %ge3A_108 = arith.constant 0.000000e+00 : f32
    %ge3A_109 = vector.broadcast %ge3A_108 : f32 to vector<768x128xf32>
    %ge3A_110 = arith.cmpf oge, %add3A_107, %ge3A_109 : vector<768x128xf32>
    %mul3A_111 = arith.constant 0.00999999977 : f32
    %mul3A_112 = vector.broadcast %mul3A_111 : f32 to vector<768x128xf32>
    %mul3A_113 = arith.mulf %mul3A_112, %add3A_107 : vector<768x128xf32>
    %select_n3A_114 = arith.select %ge3A_110, %add3A_107, %mul3A_113 : vector<768x128xi1>, vector<768x128xf32>
    %add3A_115 = arith.addf %select_n3A_114, %add3A_107 : vector<768x128xf32>
    %dot_general3A_116 = arith.constant dense<0.000000e+00> : vector<768x128xf32>
    %dot_general3A_117 = tpu.matmul %add3A_115, %get3A_52, %dot_general3A_116 {dimension_numbers = #tpu.dot_dimension_numbers<[1], [0], [0], [1], [0, 0, 1, 1], [], []>, transpose_lhs_hint = false} : vector<768x128xf32>, vector<128x128xf32>, vector<768x128xf32> -> vector<768x128xf32>
    %dot_general3A_118 = arith.constant dense<0.000000e+00> : vector<1x768xf32>
    %dot_general3A_119 = tpu.matmul %get3A_57, %dot_general3A_117, %dot_general3A_118 {dimension_numbers = #tpu.dot_dimension_numbers<[1], [1], [0], [0], [0, 0, 1, 0], [], []>, transpose_lhs_hint = false} : vector<1x128xf32>, vector<768x128xf32>, vector<1x768xf32> -> vector<1x768xf32>
    %dot_general3A_120 = arith.constant dense<0.000000e+00> : vector<768x1xf32>
    %dot_general3A_121 = tpu.matmul %dot_general3A_117, %get3A_62, %dot_general3A_120 {dimension_numbers = #tpu.dot_dimension_numbers<[1], [1], [0], [0], [0, 0, 1, 0], [], []>, transpose_lhs_hint = false} : vector<768x128xf32>, vector<1x128xf32>, vector<768x1xf32> -> vector<768x1xf32>
    %add3A_122 = vector.broadcast %dot_general3A_121 : vector<768x1xf32> to vector<768x768xf32>
    %add3A_123 = vector.broadcast %dot_general3A_119 : vector<1x768xf32> to vector<768x768xf32>
    %add3A_124 = arith.addf %add3A_122, %add3A_123 : vector<768x768xf32>
    %ge3A_125 = arith.constant 0.000000e+00 : f32
    %ge3A_126 = vector.broadcast %ge3A_125 : f32 to vector<768x768xf32>
    %ge3A_127 = arith.cmpf oge, %add3A_124, %ge3A_126 : vector<768x768xf32>
    %mul3A_128 = arith.constant 2.000000e-01 : f32
    %mul3A_129 = vector.broadcast %mul3A_128 : f32 to vector<768x768xf32>
    %mul3A_130 = arith.mulf %mul3A_129, %add3A_124 : vector<768x768xf32>
    %select_n3A_131 = arith.select %ge3A_127, %add3A_124, %mul3A_130 : vector<768x768xi1>, vector<768x768xf32>
    %jit3A_132 = arith.constant -1.000000e+30 : f32
    %broadcast_in_dim3A_133 = vector.broadcast %jit3A_132 : f32 to vector<768x768xf32>
    %select_n3A_134 = arith.select %gt3A_10, %select_n3A_131, %broadcast_in_dim3A_133 : vector<768x768xi1>, vector<768x768xf32>
    %reduce_max3A_135 = arith.constant dense<0xFF800000> : vector<768xf32>
    %reduce_max3A_136 = vector.multi_reduction <maximumf>, %select_n3A_134, %reduce_max3A_135 [1] : vector<768x768xf32> to vector<768xf32>
    %broadcast_in_dim3A_137 = vector.shape_cast %reduce_max3A_136 : vector<768xf32> to vector<768x1xf32>
    %sub3A_138 = vector.broadcast %broadcast_in_dim3A_137 : vector<768x1xf32> to vector<768x768xf32>
    %sub3A_139 = arith.subf %select_n3A_131, %sub3A_138 : vector<768x768xf32>
    %exp3A_140 = math.exp %sub3A_139 : vector<768x768xf32>
    %mul3A_141 = arith.mulf %exp3A_140, %add3A : vector<768x768xf32>
    %jit3A_142 = arith.constant 0.000000e+00 : f32
    %broadcast_in_dim3A_143 = vector.broadcast %jit3A_142 : f32 to vector<768x768xf32>
    %select_n3A_144 = arith.select %gt3A_10, %mul3A_141, %broadcast_in_dim3A_143 : vector<768x768xi1>, vector<768x768xf32>
    %reduce_sum3A_145 = arith.constant dense<0.000000e+00> : vector<768xf32>
    %reduce_sum3A_146 = vector.multi_reduction <add>, %select_n3A_144, %reduce_sum3A_145 [1] : vector<768x768xf32> to vector<768xf32>
    %broadcast_in_dim3A_147 = vector.shape_cast %reduce_sum3A_146 : vector<768xf32> to vector<768x1xf32>
    %add3A_148 = arith.constant 1.000000e-16 : f32
    %add3A_149 = vector.broadcast %add3A_148 : f32 to vector<768x1xf32>
    %add3A_150 = arith.addf %broadcast_in_dim3A_147, %add3A_149 : vector<768x1xf32>
    %div3A_151 = arith.constant 1.000000e+00 : f32
    %div3A_152 = vector.broadcast %div3A_151 : f32 to vector<768x1xf32>
    %div3A_153 = arith.divf %div3A_152, %add3A_150 : vector<768x1xf32>
    %mul3A_154 = vector.broadcast %div3A_153 : vector<768x1xf32> to vector<768x768xf32>
    %mul3A_155 = arith.mulf %select_n3A_144, %mul3A_154 : vector<768x768xf32>
    %dot_general3A_156 = arith.constant dense<0.000000e+00> : vector<768x128xf32>
    %dot_general3A_157 = tpu.matmul %mul3A_155, %dot_general3A_117, %dot_general3A_156 {dimension_numbers = #tpu.dot_dimension_numbers<[1], [0], [0], [1], [0, 0, 1, 1], [], []>, transpose_lhs_hint = false} : vector<768x768xf32>, vector<768x128xf32>, vector<768x128xf32> -> vector<768x128xf32>
    %add3A_158 = vector.broadcast %get3A_67 : vector<1x128xf32> to vector<768x128xf32>
    %add3A_159 = arith.addf %dot_general3A_157, %add3A_158 : vector<768x128xf32>
    %ge3A_160 = arith.constant 0.000000e+00 : f32
    %ge3A_161 = vector.broadcast %ge3A_160 : f32 to vector<768x128xf32>
    %ge3A_162 = arith.cmpf oge, %add3A_159, %ge3A_161 : vector<768x128xf32>
    %mul3A_163 = arith.constant 0.00999999977 : f32
    %mul3A_164 = vector.broadcast %mul3A_163 : f32 to vector<768x128xf32>
    %mul3A_165 = arith.mulf %mul3A_164, %add3A_159 : vector<768x128xf32>
    %select_n3A_166 = arith.select %ge3A_162, %add3A_159, %mul3A_165 : vector<768x128xi1>, vector<768x128xf32>
    %get3A_167 = arith.constant 1 : index
    %get3A_168 = arith.constant 0 : index
    %get3A_169 = arith.constant 0 : index
    %get3A_170 = vector.load %arg3[%get3A_167, %get3A_168, %get3A_169] : memref<3x128x128xf32, #tpu.memory_space<vmem>>, vector<1x128x128xf32>
    %get3A_171 = vector.shape_cast %get3A_170 : vector<1x128x128xf32> to vector<128x128xf32>
    %get3A_172 = arith.constant 1 : index
    %get3A_173 = arith.constant 0 : index
    %get3A_174 = arith.constant 0 : index
    %get3A_175 = vector.load %arg4[%get3A_172, %get3A_173, %get3A_174] : memref<3x1x128xf32, #tpu.memory_space<vmem>>, vector<1x1x128xf32>
    %get3A_176 = vector.shape_cast %get3A_175 : vector<1x1x128xf32> to vector<1x128xf32>
    %get3A_177 = arith.constant 1 : index
    %get3A_178 = arith.constant 0 : index
    %get3A_179 = arith.constant 0 : index
    %get3A_180 = vector.load %arg5[%get3A_177, %get3A_178, %get3A_179] : memref<3x1x128xf32, #tpu.memory_space<vmem>>, vector<1x1x128xf32>
    %get3A_181 = vector.shape_cast %get3A_180 : vector<1x1x128xf32> to vector<1x128xf32>
    %get3A_182 = arith.constant 1 : index
    %get3A_183 = arith.constant 0 : index
    %get3A_184 = arith.constant 0 : index
    %get3A_185 = vector.load %arg6[%get3A_182, %get3A_183, %get3A_184] : memref<3x1x128xf32, #tpu.memory_space<vmem>>, vector<1x1x128xf32>
    %get3A_186 = vector.shape_cast %get3A_185 : vector<1x1x128xf32> to vector<1x128xf32>
    %dot_general3A_187 = arith.constant dense<0.000000e+00> : vector<768x128xf32>
    %dot_general3A_188 = tpu.matmul %select_n3A_166, %get3A_171, %dot_general3A_187 {dimension_numbers = #tpu.dot_dimension_numbers<[1], [0], [0], [1], [0, 0, 1, 1], [], []>, transpose_lhs_hint = false} : vector<768x128xf32>, vector<128x128xf32>, vector<768x128xf32> -> vector<768x128xf32>
    %dot_general3A_189 = arith.constant dense<0.000000e+00> : vector<1x768xf32>
    %dot_general3A_190 = tpu.matmul %get3A_176, %dot_general3A_188, %dot_general3A_189 {dimension_numbers = #tpu.dot_dimension_numbers<[1], [1], [0], [0], [0, 0, 1, 0], [], []>, transpose_lhs_hint = false} : vector<1x128xf32>, vector<768x128xf32>, vector<1x768xf32> -> vector<1x768xf32>
    %dot_general3A_191 = arith.constant dense<0.000000e+00> : vector<768x1xf32>
    %dot_general3A_192 = tpu.matmul %dot_general3A_188, %get3A_181, %dot_general3A_191 {dimension_numbers = #tpu.dot_dimension_numbers<[1], [1], [0], [0], [0, 0, 1, 0], [], []>, transpose_lhs_hint = false} : vector<768x128xf32>, vector<1x128xf32>, vector<768x1xf32> -> vector<768x1xf32>
    %add3A_193 = vector.broadcast %dot_general3A_192 : vector<768x1xf32> to vector<768x768xf32>
    %add3A_194 = vector.broadcast %dot_general3A_190 : vector<1x768xf32> to vector<768x768xf32>
    %add3A_195 = arith.addf %add3A_193, %add3A_194 : vector<768x768xf32>
    %ge3A_196 = arith.constant 0.000000e+00 : f32
    %ge3A_197 = vector.broadcast %ge3A_196 : f32 to vector<768x768xf32>
    %ge3A_198 = arith.cmpf oge, %add3A_195, %ge3A_197 : vector<768x768xf32>
    %mul3A_199 = arith.constant 2.000000e-01 : f32
    %mul3A_200 = vector.broadcast %mul3A_199 : f32 to vector<768x768xf32>
    %mul3A_201 = arith.mulf %mul3A_200, %add3A_195 : vector<768x768xf32>
    %select_n3A_202 = arith.select %ge3A_198, %add3A_195, %mul3A_201 : vector<768x768xi1>, vector<768x768xf32>
    %jit3A_203 = arith.constant -1.000000e+30 : f32
    %broadcast_in_dim3A_204 = vector.broadcast %jit3A_203 : f32 to vector<768x768xf32>
    %select_n3A_205 = arith.select %gt3A_10, %select_n3A_202, %broadcast_in_dim3A_204 : vector<768x768xi1>, vector<768x768xf32>
    %reduce_max3A_206 = arith.constant dense<0xFF800000> : vector<768xf32>
    %reduce_max3A_207 = vector.multi_reduction <maximumf>, %select_n3A_205, %reduce_max3A_206 [1] : vector<768x768xf32> to vector<768xf32>
    %broadcast_in_dim3A_208 = vector.shape_cast %reduce_max3A_207 : vector<768xf32> to vector<768x1xf32>
    %sub3A_209 = vector.broadcast %broadcast_in_dim3A_208 : vector<768x1xf32> to vector<768x768xf32>
    %sub3A_210 = arith.subf %select_n3A_202, %sub3A_209 : vector<768x768xf32>
    %exp3A_211 = math.exp %sub3A_210 : vector<768x768xf32>
    %mul3A_212 = arith.mulf %exp3A_211, %add3A : vector<768x768xf32>
    %jit3A_213 = arith.constant 0.000000e+00 : f32
    %broadcast_in_dim3A_214 = vector.broadcast %jit3A_213 : f32 to vector<768x768xf32>
    %select_n3A_215 = arith.select %gt3A_10, %mul3A_212, %broadcast_in_dim3A_214 : vector<768x768xi1>, vector<768x768xf32>
    %reduce_sum3A_216 = arith.constant dense<0.000000e+00> : vector<768xf32>
    %reduce_sum3A_217 = vector.multi_reduction <add>, %select_n3A_215, %reduce_sum3A_216 [1] : vector<768x768xf32> to vector<768xf32>
    %broadcast_in_dim3A_218 = vector.shape_cast %reduce_sum3A_217 : vector<768xf32> to vector<768x1xf32>
    %add3A_219 = arith.constant 1.000000e-16 : f32
    %add3A_220 = vector.broadcast %add3A_219 : f32 to vector<768x1xf32>
    %add3A_221 = arith.addf %broadcast_in_dim3A_218, %add3A_220 : vector<768x1xf32>
    %div3A_222 = arith.constant 1.000000e+00 : f32
    %div3A_223 = vector.broadcast %div3A_222 : f32 to vector<768x1xf32>
    %div3A_224 = arith.divf %div3A_223, %add3A_221 : vector<768x1xf32>
    %mul3A_225 = vector.broadcast %div3A_224 : vector<768x1xf32> to vector<768x768xf32>
    %mul3A_226 = arith.mulf %select_n3A_215, %mul3A_225 : vector<768x768xf32>
    %dot_general3A_227 = arith.constant dense<0.000000e+00> : vector<768x128xf32>
    %dot_general3A_228 = tpu.matmul %mul3A_226, %dot_general3A_188, %dot_general3A_227 {dimension_numbers = #tpu.dot_dimension_numbers<[1], [0], [0], [1], [0, 0, 1, 1], [], []>, transpose_lhs_hint = false} : vector<768x768xf32>, vector<768x128xf32>, vector<768x128xf32> -> vector<768x128xf32>
    %add3A_229 = vector.broadcast %get3A_186 : vector<1x128xf32> to vector<768x128xf32>
    %add3A_230 = arith.addf %dot_general3A_228, %add3A_229 : vector<768x128xf32>
    %ge3A_231 = arith.constant 0.000000e+00 : f32
    %ge3A_232 = vector.broadcast %ge3A_231 : f32 to vector<768x128xf32>
    %ge3A_233 = arith.cmpf oge, %add3A_230, %ge3A_232 : vector<768x128xf32>
    %mul3A_234 = arith.constant 0.00999999977 : f32
    %mul3A_235 = vector.broadcast %mul3A_234 : f32 to vector<768x128xf32>
    %mul3A_236 = arith.mulf %mul3A_235, %add3A_230 : vector<768x128xf32>
    %select_n3A_237 = arith.select %ge3A_233, %add3A_230, %mul3A_236 : vector<768x128xi1>, vector<768x128xf32>
    %add3A_238 = arith.addf %select_n3A_237, %add3A_230 : vector<768x128xf32>
    %dot_general3A_239 = arith.constant dense<0.000000e+00> : vector<768x128xf32>
    %dot_general3A_240 = tpu.matmul %add3A_238, %get3A_171, %dot_general3A_239 {dimension_numbers = #tpu.dot_dimension_numbers<[1], [0], [0], [1], [0, 0, 1, 1], [], []>, transpose_lhs_hint = false} : vector<768x128xf32>, vector<128x128xf32>, vector<768x128xf32> -> vector<768x128xf32>
    %dot_general3A_241 = arith.constant dense<0.000000e+00> : vector<1x768xf32>
    %dot_general3A_242 = tpu.matmul %get3A_176, %dot_general3A_240, %dot_general3A_241 {dimension_numbers = #tpu.dot_dimension_numbers<[1], [1], [0], [0], [0, 0, 1, 0], [], []>, transpose_lhs_hint = false} : vector<1x128xf32>, vector<768x128xf32>, vector<1x768xf32> -> vector<1x768xf32>
    %dot_general3A_243 = arith.constant dense<0.000000e+00> : vector<768x1xf32>
    %dot_general3A_244 = tpu.matmul %dot_general3A_240, %get3A_181, %dot_general3A_243 {dimension_numbers = #tpu.dot_dimension_numbers<[1], [1], [0], [0], [0, 0, 1, 0], [], []>, transpose_lhs_hint = false} : vector<768x128xf32>, vector<1x128xf32>, vector<768x1xf32> -> vector<768x1xf32>
    %add3A_245 = vector.broadcast %dot_general3A_244 : vector<768x1xf32> to vector<768x768xf32>
    %add3A_246 = vector.broadcast %dot_general3A_242 : vector<1x768xf32> to vector<768x768xf32>
    %add3A_247 = arith.addf %add3A_245, %add3A_246 : vector<768x768xf32>
    %ge3A_248 = arith.constant 0.000000e+00 : f32
    %ge3A_249 = vector.broadcast %ge3A_248 : f32 to vector<768x768xf32>
    %ge3A_250 = arith.cmpf oge, %add3A_247, %ge3A_249 : vector<768x768xf32>
    %mul3A_251 = arith.constant 2.000000e-01 : f32
    %mul3A_252 = vector.broadcast %mul3A_251 : f32 to vector<768x768xf32>
    %mul3A_253 = arith.mulf %mul3A_252, %add3A_247 : vector<768x768xf32>
    %select_n3A_254 = arith.select %ge3A_250, %add3A_247, %mul3A_253 : vector<768x768xi1>, vector<768x768xf32>
    %jit3A_255 = arith.constant -1.000000e+30 : f32
    %broadcast_in_dim3A_256 = vector.broadcast %jit3A_255 : f32 to vector<768x768xf32>
    %select_n3A_257 = arith.select %gt3A_10, %select_n3A_254, %broadcast_in_dim3A_256 : vector<768x768xi1>, vector<768x768xf32>
    %reduce_max3A_258 = arith.constant dense<0xFF800000> : vector<768xf32>
    %reduce_max3A_259 = vector.multi_reduction <maximumf>, %select_n3A_257, %reduce_max3A_258 [1] : vector<768x768xf32> to vector<768xf32>
    %broadcast_in_dim3A_260 = vector.shape_cast %reduce_max3A_259 : vector<768xf32> to vector<768x1xf32>
    %sub3A_261 = vector.broadcast %broadcast_in_dim3A_260 : vector<768x1xf32> to vector<768x768xf32>
    %sub3A_262 = arith.subf %select_n3A_254, %sub3A_261 : vector<768x768xf32>
    %exp3A_263 = math.exp %sub3A_262 : vector<768x768xf32>
    %mul3A_264 = arith.mulf %exp3A_263, %add3A : vector<768x768xf32>
    %jit3A_265 = arith.constant 0.000000e+00 : f32
    %broadcast_in_dim3A_266 = vector.broadcast %jit3A_265 : f32 to vector<768x768xf32>
    %select_n3A_267 = arith.select %gt3A_10, %mul3A_264, %broadcast_in_dim3A_266 : vector<768x768xi1>, vector<768x768xf32>
    %reduce_sum3A_268 = arith.constant dense<0.000000e+00> : vector<768xf32>
    %reduce_sum3A_269 = vector.multi_reduction <add>, %select_n3A_267, %reduce_sum3A_268 [1] : vector<768x768xf32> to vector<768xf32>
    %broadcast_in_dim3A_270 = vector.shape_cast %reduce_sum3A_269 : vector<768xf32> to vector<768x1xf32>
    %add3A_271 = arith.constant 1.000000e-16 : f32
    %add3A_272 = vector.broadcast %add3A_271 : f32 to vector<768x1xf32>
    %add3A_273 = arith.addf %broadcast_in_dim3A_270, %add3A_272 : vector<768x1xf32>
    %div3A_274 = arith.constant 1.000000e+00 : f32
    %div3A_275 = vector.broadcast %div3A_274 : f32 to vector<768x1xf32>
    %div3A_276 = arith.divf %div3A_275, %add3A_273 : vector<768x1xf32>
    %mul3A_277 = vector.broadcast %div3A_276 : vector<768x1xf32> to vector<768x768xf32>
    %mul3A_278 = arith.mulf %select_n3A_267, %mul3A_277 : vector<768x768xf32>
    %dot_general3A_279 = arith.constant dense<0.000000e+00> : vector<768x128xf32>
    %dot_general3A_280 = tpu.matmul %mul3A_278, %dot_general3A_240, %dot_general3A_279 {dimension_numbers = #tpu.dot_dimension_numbers<[1], [0], [0], [1], [0, 0, 1, 1], [], []>, transpose_lhs_hint = false} : vector<768x768xf32>, vector<768x128xf32>, vector<768x128xf32> -> vector<768x128xf32>
    %add3A_281 = vector.broadcast %get3A_186 : vector<1x128xf32> to vector<768x128xf32>
    %add3A_282 = arith.addf %dot_general3A_280, %add3A_281 : vector<768x128xf32>
    %ge3A_283 = arith.constant 0.000000e+00 : f32
    %ge3A_284 = vector.broadcast %ge3A_283 : f32 to vector<768x128xf32>
    %ge3A_285 = arith.cmpf oge, %add3A_282, %ge3A_284 : vector<768x128xf32>
    %mul3A_286 = arith.constant 0.00999999977 : f32
    %mul3A_287 = vector.broadcast %mul3A_286 : f32 to vector<768x128xf32>
    %mul3A_288 = arith.mulf %mul3A_287, %add3A_282 : vector<768x128xf32>
    %select_n3A_289 = arith.select %ge3A_285, %add3A_282, %mul3A_288 : vector<768x128xi1>, vector<768x128xf32>
    %get3A_290 = arith.constant 2 : index
    %get3A_291 = arith.constant 0 : index
    %get3A_292 = arith.constant 0 : index
    %get3A_293 = vector.load %arg3[%get3A_290, %get3A_291, %get3A_292] : memref<3x128x128xf32, #tpu.memory_space<vmem>>, vector<1x128x128xf32>
    %get3A_294 = vector.shape_cast %get3A_293 : vector<1x128x128xf32> to vector<128x128xf32>
    %get3A_295 = arith.constant 2 : index
    %get3A_296 = arith.constant 0 : index
    %get3A_297 = arith.constant 0 : index
    %get3A_298 = vector.load %arg4[%get3A_295, %get3A_296, %get3A_297] : memref<3x1x128xf32, #tpu.memory_space<vmem>>, vector<1x1x128xf32>
    %get3A_299 = vector.shape_cast %get3A_298 : vector<1x1x128xf32> to vector<1x128xf32>
    %get3A_300 = arith.constant 2 : index
    %get3A_301 = arith.constant 0 : index
    %get3A_302 = arith.constant 0 : index
    %get3A_303 = vector.load %arg5[%get3A_300, %get3A_301, %get3A_302] : memref<3x1x128xf32, #tpu.memory_space<vmem>>, vector<1x1x128xf32>
    %get3A_304 = vector.shape_cast %get3A_303 : vector<1x1x128xf32> to vector<1x128xf32>
    %get3A_305 = arith.constant 2 : index
    %get3A_306 = arith.constant 0 : index
    %get3A_307 = arith.constant 0 : index
    %get3A_308 = vector.load %arg6[%get3A_305, %get3A_306, %get3A_307] : memref<3x1x128xf32, #tpu.memory_space<vmem>>, vector<1x1x128xf32>
    %get3A_309 = vector.shape_cast %get3A_308 : vector<1x1x128xf32> to vector<1x128xf32>
    %dot_general3A_310 = arith.constant dense<0.000000e+00> : vector<768x128xf32>
    %dot_general3A_311 = tpu.matmul %select_n3A_289, %get3A_294, %dot_general3A_310 {dimension_numbers = #tpu.dot_dimension_numbers<[1], [0], [0], [1], [0, 0, 1, 1], [], []>, transpose_lhs_hint = false} : vector<768x128xf32>, vector<128x128xf32>, vector<768x128xf32> -> vector<768x128xf32>
    %dot_general3A_312 = arith.constant dense<0.000000e+00> : vector<1x768xf32>
    %dot_general3A_313 = tpu.matmul %get3A_299, %dot_general3A_311, %dot_general3A_312 {dimension_numbers = #tpu.dot_dimension_numbers<[1], [1], [0], [0], [0, 0, 1, 0], [], []>, transpose_lhs_hint = false} : vector<1x128xf32>, vector<768x128xf32>, vector<1x768xf32> -> vector<1x768xf32>
    %dot_general3A_314 = arith.constant dense<0.000000e+00> : vector<768x1xf32>
    %dot_general3A_315 = tpu.matmul %dot_general3A_311, %get3A_304, %dot_general3A_314 {dimension_numbers = #tpu.dot_dimension_numbers<[1], [1], [0], [0], [0, 0, 1, 0], [], []>, transpose_lhs_hint = false} : vector<768x128xf32>, vector<1x128xf32>, vector<768x1xf32> -> vector<768x1xf32>
    %add3A_316 = vector.broadcast %dot_general3A_315 : vector<768x1xf32> to vector<768x768xf32>
    %add3A_317 = vector.broadcast %dot_general3A_313 : vector<1x768xf32> to vector<768x768xf32>
    %add3A_318 = arith.addf %add3A_316, %add3A_317 : vector<768x768xf32>
    %ge3A_319 = arith.constant 0.000000e+00 : f32
    %ge3A_320 = vector.broadcast %ge3A_319 : f32 to vector<768x768xf32>
    %ge3A_321 = arith.cmpf oge, %add3A_318, %ge3A_320 : vector<768x768xf32>
    %mul3A_322 = arith.constant 2.000000e-01 : f32
    %mul3A_323 = vector.broadcast %mul3A_322 : f32 to vector<768x768xf32>
    %mul3A_324 = arith.mulf %mul3A_323, %add3A_318 : vector<768x768xf32>
    %select_n3A_325 = arith.select %ge3A_321, %add3A_318, %mul3A_324 : vector<768x768xi1>, vector<768x768xf32>
    %jit3A_326 = arith.constant -1.000000e+30 : f32
    %broadcast_in_dim3A_327 = vector.broadcast %jit3A_326 : f32 to vector<768x768xf32>
    %select_n3A_328 = arith.select %gt3A_10, %select_n3A_325, %broadcast_in_dim3A_327 : vector<768x768xi1>, vector<768x768xf32>
    %reduce_max3A_329 = arith.constant dense<0xFF800000> : vector<768xf32>
    %reduce_max3A_330 = vector.multi_reduction <maximumf>, %select_n3A_328, %reduce_max3A_329 [1] : vector<768x768xf32> to vector<768xf32>
    %broadcast_in_dim3A_331 = vector.shape_cast %reduce_max3A_330 : vector<768xf32> to vector<768x1xf32>
    %sub3A_332 = vector.broadcast %broadcast_in_dim3A_331 : vector<768x1xf32> to vector<768x768xf32>
    %sub3A_333 = arith.subf %select_n3A_325, %sub3A_332 : vector<768x768xf32>
    %exp3A_334 = math.exp %sub3A_333 : vector<768x768xf32>
    %mul3A_335 = arith.mulf %exp3A_334, %add3A : vector<768x768xf32>
    %jit3A_336 = arith.constant 0.000000e+00 : f32
    %broadcast_in_dim3A_337 = vector.broadcast %jit3A_336 : f32 to vector<768x768xf32>
    %select_n3A_338 = arith.select %gt3A_10, %mul3A_335, %broadcast_in_dim3A_337 : vector<768x768xi1>, vector<768x768xf32>
    %reduce_sum3A_339 = arith.constant dense<0.000000e+00> : vector<768xf32>
    %reduce_sum3A_340 = vector.multi_reduction <add>, %select_n3A_338, %reduce_sum3A_339 [1] : vector<768x768xf32> to vector<768xf32>
    %broadcast_in_dim3A_341 = vector.shape_cast %reduce_sum3A_340 : vector<768xf32> to vector<768x1xf32>
    %add3A_342 = arith.constant 1.000000e-16 : f32
    %add3A_343 = vector.broadcast %add3A_342 : f32 to vector<768x1xf32>
    %add3A_344 = arith.addf %broadcast_in_dim3A_341, %add3A_343 : vector<768x1xf32>
    %div3A_345 = arith.constant 1.000000e+00 : f32
    %div3A_346 = vector.broadcast %div3A_345 : f32 to vector<768x1xf32>
    %div3A_347 = arith.divf %div3A_346, %add3A_344 : vector<768x1xf32>
    %mul3A_348 = vector.broadcast %div3A_347 : vector<768x1xf32> to vector<768x768xf32>
    %mul3A_349 = arith.mulf %select_n3A_338, %mul3A_348 : vector<768x768xf32>
    %dot_general3A_350 = arith.constant dense<0.000000e+00> : vector<768x128xf32>
    %dot_general3A_351 = tpu.matmul %mul3A_349, %dot_general3A_311, %dot_general3A_350 {dimension_numbers = #tpu.dot_dimension_numbers<[1], [0], [0], [1], [0, 0, 1, 1], [], []>, transpose_lhs_hint = false} : vector<768x768xf32>, vector<768x128xf32>, vector<768x128xf32> -> vector<768x128xf32>
    %add3A_352 = vector.broadcast %get3A_309 : vector<1x128xf32> to vector<768x128xf32>
    %add3A_353 = arith.addf %dot_general3A_351, %add3A_352 : vector<768x128xf32>
    %ge3A_354 = arith.constant 0.000000e+00 : f32
    %ge3A_355 = vector.broadcast %ge3A_354 : f32 to vector<768x128xf32>
    %ge3A_356 = arith.cmpf oge, %add3A_353, %ge3A_355 : vector<768x128xf32>
    %mul3A_357 = arith.constant 0.00999999977 : f32
    %mul3A_358 = vector.broadcast %mul3A_357 : f32 to vector<768x128xf32>
    %mul3A_359 = arith.mulf %mul3A_358, %add3A_353 : vector<768x128xf32>
    %select_n3A_360 = arith.select %ge3A_356, %add3A_353, %mul3A_359 : vector<768x128xi1>, vector<768x128xf32>
    %add3A_361 = arith.addf %select_n3A_360, %add3A_353 : vector<768x128xf32>
    %dot_general3A_362 = arith.constant dense<0.000000e+00> : vector<768x128xf32>
    %dot_general3A_363 = tpu.matmul %add3A_361, %get3A_294, %dot_general3A_362 {dimension_numbers = #tpu.dot_dimension_numbers<[1], [0], [0], [1], [0, 0, 1, 1], [], []>, transpose_lhs_hint = false} : vector<768x128xf32>, vector<128x128xf32>, vector<768x128xf32> -> vector<768x128xf32>
    %dot_general3A_364 = arith.constant dense<0.000000e+00> : vector<1x768xf32>
    %dot_general3A_365 = tpu.matmul %get3A_299, %dot_general3A_363, %dot_general3A_364 {dimension_numbers = #tpu.dot_dimension_numbers<[1], [1], [0], [0], [0, 0, 1, 0], [], []>, transpose_lhs_hint = false} : vector<1x128xf32>, vector<768x128xf32>, vector<1x768xf32> -> vector<1x768xf32>
    %dot_general3A_366 = arith.constant dense<0.000000e+00> : vector<768x1xf32>
    %dot_general3A_367 = tpu.matmul %dot_general3A_363, %get3A_304, %dot_general3A_366 {dimension_numbers = #tpu.dot_dimension_numbers<[1], [1], [0], [0], [0, 0, 1, 0], [], []>, transpose_lhs_hint = false} : vector<768x128xf32>, vector<1x128xf32>, vector<768x1xf32> -> vector<768x1xf32>
    %add3A_368 = vector.broadcast %dot_general3A_367 : vector<768x1xf32> to vector<768x768xf32>
    %add3A_369 = vector.broadcast %dot_general3A_365 : vector<1x768xf32> to vector<768x768xf32>
    %add3A_370 = arith.addf %add3A_368, %add3A_369 : vector<768x768xf32>
    %ge3A_371 = arith.constant 0.000000e+00 : f32
    %ge3A_372 = vector.broadcast %ge3A_371 : f32 to vector<768x768xf32>
    %ge3A_373 = arith.cmpf oge, %add3A_370, %ge3A_372 : vector<768x768xf32>
    %mul3A_374 = arith.constant 2.000000e-01 : f32
    %mul3A_375 = vector.broadcast %mul3A_374 : f32 to vector<768x768xf32>
    %mul3A_376 = arith.mulf %mul3A_375, %add3A_370 : vector<768x768xf32>
    %select_n3A_377 = arith.select %ge3A_373, %add3A_370, %mul3A_376 : vector<768x768xi1>, vector<768x768xf32>
    %jit3A_378 = arith.constant -1.000000e+30 : f32
    %broadcast_in_dim3A_379 = vector.broadcast %jit3A_378 : f32 to vector<768x768xf32>
    %select_n3A_380 = arith.select %gt3A_10, %select_n3A_377, %broadcast_in_dim3A_379 : vector<768x768xi1>, vector<768x768xf32>
    %reduce_max3A_381 = arith.constant dense<0xFF800000> : vector<768xf32>
    %reduce_max3A_382 = vector.multi_reduction <maximumf>, %select_n3A_380, %reduce_max3A_381 [1] : vector<768x768xf32> to vector<768xf32>
    %broadcast_in_dim3A_383 = vector.shape_cast %reduce_max3A_382 : vector<768xf32> to vector<768x1xf32>
    %sub3A_384 = vector.broadcast %broadcast_in_dim3A_383 : vector<768x1xf32> to vector<768x768xf32>
    %sub3A_385 = arith.subf %select_n3A_377, %sub3A_384 : vector<768x768xf32>
    %exp3A_386 = math.exp %sub3A_385 : vector<768x768xf32>
    %mul3A_387 = arith.mulf %exp3A_386, %add3A : vector<768x768xf32>
    %jit3A_388 = arith.constant 0.000000e+00 : f32
    %broadcast_in_dim3A_389 = vector.broadcast %jit3A_388 : f32 to vector<768x768xf32>
    %select_n3A_390 = arith.select %gt3A_10, %mul3A_387, %broadcast_in_dim3A_389 : vector<768x768xi1>, vector<768x768xf32>
    %reduce_sum3A_391 = arith.constant dense<0.000000e+00> : vector<768xf32>
    %reduce_sum3A_392 = vector.multi_reduction <add>, %select_n3A_390, %reduce_sum3A_391 [1] : vector<768x768xf32> to vector<768xf32>
    %broadcast_in_dim3A_393 = vector.shape_cast %reduce_sum3A_392 : vector<768xf32> to vector<768x1xf32>
    %add3A_394 = arith.constant 1.000000e-16 : f32
    %add3A_395 = vector.broadcast %add3A_394 : f32 to vector<768x1xf32>
    %add3A_396 = arith.addf %broadcast_in_dim3A_393, %add3A_395 : vector<768x1xf32>
    %div3A_397 = arith.constant 1.000000e+00 : f32
    %div3A_398 = vector.broadcast %div3A_397 : f32 to vector<768x1xf32>
    %div3A_399 = arith.divf %div3A_398, %add3A_396 : vector<768x1xf32>
    %mul3A_400 = vector.broadcast %div3A_399 : vector<768x1xf32> to vector<768x768xf32>
    %mul3A_401 = arith.mulf %select_n3A_390, %mul3A_400 : vector<768x768xf32>
    %dot_general3A_402 = arith.constant dense<0.000000e+00> : vector<768x128xf32>
    %dot_general3A_403 = tpu.matmul %mul3A_401, %dot_general3A_363, %dot_general3A_402 {dimension_numbers = #tpu.dot_dimension_numbers<[1], [0], [0], [1], [0, 0, 1, 1], [], []>, transpose_lhs_hint = false} : vector<768x768xf32>, vector<768x128xf32>, vector<768x128xf32> -> vector<768x128xf32>
    %add3A_404 = vector.broadcast %get3A_309 : vector<1x128xf32> to vector<768x128xf32>
    %add3A_405 = arith.addf %dot_general3A_403, %add3A_404 : vector<768x128xf32>
    %ge3A_406 = arith.constant 0.000000e+00 : f32
    %ge3A_407 = vector.broadcast %ge3A_406 : f32 to vector<768x128xf32>
    %ge3A_408 = arith.cmpf oge, %add3A_405, %ge3A_407 : vector<768x128xf32>
    %mul3A_409 = arith.constant 0.00999999977 : f32
    %mul3A_410 = vector.broadcast %mul3A_409 : f32 to vector<768x128xf32>
    %mul3A_411 = arith.mulf %mul3A_410, %add3A_405 : vector<768x128xf32>
    %select_n3A_412 = arith.select %ge3A_408, %add3A_405, %mul3A_411 : vector<768x128xi1>, vector<768x128xf32>
    %get3A_413 = arith.constant 0 : index
    %get3A_414 = arith.constant 0 : index
    %get3A_415 = vector.load %arg7[%get3A_413, %get3A_414] : memref<128x1xf32, #tpu.memory_space<vmem>>, vector<128x1xf32>
    %dot_general3A_416 = arith.constant dense<0.000000e+00> : vector<768x1xf32>
    %dot_general3A_417 = tpu.matmul %select_n3A_412, %get3A_415, %dot_general3A_416 {dimension_numbers = #tpu.dot_dimension_numbers<[1], [0], [0], [1], [0, 0, 1, 1], [], []>, transpose_lhs_hint = false} : vector<768x128xf32>, vector<128x1xf32>, vector<768x1xf32> -> vector<768x1xf32>
    %mul3A_418 = arith.mulf %select_n3A_18, %dot_general3A_417 : vector<768x1xf32>
    %dot_general3A_419 = arith.constant dense<0.000000e+00> : vector<768x1xf32>
    %dot_general3A_420 = tpu.matmul %add3A, %mul3A_418, %dot_general3A_419 {dimension_numbers = #tpu.dot_dimension_numbers<[1], [0], [0], [1], [0, 0, 1, 1], [], []>, transpose_lhs_hint = false} : vector<768x768xf32>, vector<768x1xf32>, vector<768x1xf32> -> vector<768x1xf32>
    %mul3A_421 = arith.mulf %dot_general3A_420, %select_n3A_18 : vector<768x1xf32>
    %get3A_422 = arith.constant 0 : index
    %get3A_423 = arith.constant 0 : index
    %get3A_424 = vector.load %arg8[%get3A_422, %get3A_423] : memref<1x1xf32, #tpu.memory_space<vmem>>, vector<1x1xf32>
    %add3A_425 = vector.broadcast %get3A_424 : vector<1x1xf32> to vector<768x1xf32>
    %add3A_426 = arith.addf %mul3A_421, %add3A_425 : vector<768x1xf32>
    %ge3A_427 = arith.constant 0.000000e+00 : f32
    %ge3A_428 = vector.broadcast %ge3A_427 : f32 to vector<768x1xf32>
    %ge3A_429 = arith.cmpf oge, %add3A_426, %ge3A_428 : vector<768x1xf32>
    %mul3A_430 = arith.constant 0.00999999977 : f32
    %mul3A_431 = vector.broadcast %mul3A_430 : f32 to vector<768x1xf32>
    %mul3A_432 = arith.mulf %mul3A_431, %add3A_426 : vector<768x1xf32>
    %select_n3A_433 = arith.select %ge3A_429, %add3A_426, %mul3A_432 : vector<768x1xi1>, vector<768x1xf32>
    %get3A_434 = arith.constant 0 : index
    %get3A_435 = arith.constant 0 : index
    %get3A_436 = vector.load %arg9[%get3A_434, %get3A_435] : memref<768x128xf32, #tpu.memory_space<vmem>>, vector<768x128xf32>
    %mul3A_437 = vector.broadcast %select_n3A_433 : vector<768x1xf32> to vector<768x128xf32>
    %mul3A_438 = arith.mulf %get3A_436, %mul3A_437 : vector<768x128xf32>
    %reduce_sum3A_439 = arith.constant dense<0.000000e+00> : vector<128xf32>
    %reduce_sum3A_440 = vector.multi_reduction <add>, %mul3A_438, %reduce_sum3A_439 [0] : vector<768x128xf32> to vector<128xf32>
    %broadcast_in_dim3A_441 = vector.shape_cast %reduce_sum3A_440 : vector<128xf32> to vector<1x128xf32>
    %get3A_442 = arith.constant 0 : index
    %get3A_443 = arith.constant 0 : index
    %get3A_444 = vector.load %arg10[%get3A_442, %get3A_443] : memref<1x128xf32, #tpu.memory_space<vmem>>, vector<1x128xf32>
    %add3A_445 = arith.addf %broadcast_in_dim3A_441, %get3A_444 : vector<1x128xf32>
    %ge3A_446 = arith.constant 0.000000e+00 : f32
    %ge3A_447 = vector.broadcast %ge3A_446 : f32 to vector<1x128xf32>
    %ge3A_448 = arith.cmpf oge, %add3A_445, %ge3A_447 : vector<1x128xf32>
    %mul3A_449 = arith.constant 0.00999999977 : f32
    %mul3A_450 = vector.broadcast %mul3A_449 : f32 to vector<1x128xf32>
    %mul3A_451 = arith.mulf %mul3A_450, %add3A_445 : vector<1x128xf32>
    %select_n3A_452 = arith.select %ge3A_448, %add3A_445, %mul3A_451 : vector<1x128xi1>, vector<1x128xf32>
    %get3A_453 = arith.constant 0 : index
    %get3A_454 = arith.constant 0 : index
    %get3A_455 = vector.load %arg11[%get3A_453, %get3A_454] : memref<128x128xf32, #tpu.memory_space<vmem>>, vector<128x128xf32>
    %dot_general3A_456 = arith.constant dense<0.000000e+00> : vector<1x128xf32>
    %dot_general3A_457 = tpu.matmul %select_n3A_452, %get3A_455, %dot_general3A_456 {dimension_numbers = #tpu.dot_dimension_numbers<[1], [0], [0], [1], [0, 0, 1, 1], [], []>, transpose_lhs_hint = false} : vector<1x128xf32>, vector<128x128xf32>, vector<1x128xf32> -> vector<1x128xf32>
    %get3A_458 = arith.constant 0 : index
    %get3A_459 = arith.constant 0 : index
    %get3A_460 = vector.load %arg12[%get3A_458, %get3A_459] : memref<1x128xf32, #tpu.memory_space<vmem>>, vector<1x128xf32>
    %add3A_461 = arith.addf %dot_general3A_457, %get3A_460 : vector<1x128xf32>
    %swap3A = arith.constant 0 : index
    %swap3A_462 = arith.constant 0 : index
    %swap3A_463 = arith.constant 0 : index
    %swap3A_464 = vector.load %arg14[%swap3A, %swap3A_462, %swap3A_463] : memref<1x1x128xf32, #tpu.memory_space<vmem>>, vector<1x1x128xf32>
    %swap3A_465 = vector.shape_cast %swap3A_464 : vector<1x1x128xf32> to vector<1x128xf32>
    %swap3A_466 = vector.shape_cast %add3A_461 : vector<1x128xf32> to vector<1x1x128xf32>
    tpu.vector_store %arg14[%swap3A, %swap3A_462, %swap3A_463], %swap3A_466 {strides = array<i32>} : memref<1x1x128xf32, #tpu.memory_space<vmem>>, vector<1x1x128xf32>,
    return
  }
  func.func @transform_0(%arg0: i32) -> (i32, i32, i32) {
    %c0_i32 = arith.constant 0 : i32
    %c0_i32_0 = arith.constant 0 : i32
    %c0_i32_1 = arith.constant 0 : i32
    return %arg0, %c0_i32, %c0_i32_0 : i32, i32, i32
  }
  func.func @transform_1(%arg0: i32) -> (i32, i32, i32) {
    %c0_i32 = arith.constant 0 : i32
    %c0_i32_0 = arith.constant 0 : i32
    %c0_i32_1 = arith.constant 0 : i32
    return %arg0, %c0_i32, %c0_i32_0 : i32, i32, i32
  }
  func.func @transform_2(%arg0: i32) -> (i32, i32, i32) {
    %c0_i32 = arith.constant 0 : i32
    %c0_i32_0 = arith.constant 0 : i32
    %c0_i32_1 = arith.constant 0 : i32
    %c0_i32_2 = arith.constant 0 : i32
    return %c0_i32, %c0_i32_0, %c0_i32_1 : i32, i32, i32
  }
  func.func @transform_3(%arg0: i32) -> (i32, i32, i32) {
    %c0_i32 = arith.constant 0 : i32
    %c0_i32_0 = arith.constant 0 : i32
    %c0_i32_1 = arith.constant 0 : i32
    %c0_i32_2 = arith.constant 0 : i32
    return %c0_i32, %c0_i32_0, %c0_i32_1 : i32, i32, i32
  }
  func.func @transform_4(%arg0: i32) -> (i32, i32, i32) {
    %c0_i32 = arith.constant 0 : i32
    %c0_i32_0 = arith.constant 0 : i32
    %c0_i32_1 = arith.constant 0 : i32
    %c0_i32_2 = arith.constant 0 : i32
    return %c0_i32, %c0_i32_0, %c0_i32_1 : i32, i32, i32
  }
  func.func @transform_5(%arg0: i32) -> (i32, i32, i32) {
    %c0_i32 = arith.constant 0 : i32
    %c0_i32_0 = arith.constant 0 : i32
    %c0_i32_1 = arith.constant 0 : i32
    %c0_i32_2 = arith.constant 0 : i32
    return %c0_i32, %c0_i32_0, %c0_i32_1 : i32, i32, i32
  }
  func.func @transform_6(%arg0: i32) -> (i32, i32) {
    %c0_i32 = arith.constant 0 : i32
    %c0_i32_0 = arith.constant 0 : i32
    %c0_i32_1 = arith.constant 0 : i32
    return %c0_i32, %c0_i32_0 : i32, i32
  }
  func.func @transform_7(%arg0: i32) -> (i32, i32) {
    %c0_i32 = arith.constant 0 : i32
    %c0_i32_0 = arith.constant 0 : i32
    %c0_i32_1 = arith.constant 0 : i32
    return %c0_i32, %c0_i32_0 : i32, i32
  }
  func.func @transform_8(%arg0: i32) -> (i32, i32) {
    %c0_i32 = arith.constant 0 : i32
    %c0_i32_0 = arith.constant 0 : i32
    %c0_i32_1 = arith.constant 0 : i32
    return %c0_i32, %c0_i32_0 : i32, i32
  }
  func.func @transform_9(%arg0: i32) -> (i32, i32) {
    %c0_i32 = arith.constant 0 : i32
    %c0_i32_0 = arith.constant 0 : i32
    %c0_i32_1 = arith.constant 0 : i32
    return %c0_i32, %c0_i32_0 : i32, i32
  }
  func.func @transform_10(%arg0: i32) -> (i32, i32) {
    %c0_i32 = arith.constant 0 : i32
    %c0_i32_0 = arith.constant 0 : i32
    %c0_i32_1 = arith.constant 0 : i32
    return %c0_i32, %c0_i32_0 : i32, i32
  }
  func.func @transform_11(%arg0: i32) -> (i32, i32) {
    %c0_i32 = arith.constant 0 : i32
    %c0_i32_0 = arith.constant 0 : i32
    %c0_i32_1 = arith.constant 0 : i32
    return %c0_i32, %c0_i32_0 : i32, i32
  }
  func.func @transform_12(%arg0: i32) -> (i32, i32) {
    %c0_i32 = arith.constant 0 : i32
    %c0_i32_0 = arith.constant 0 : i32
    %c0_i32_1 = arith.constant 0 : i32
    return %c0_i32, %c0_i32_0 : i32, i32
  }
  func.func @transform_13(%arg0: i32) -> (i32, i32, i32) {
    %c0_i32 = arith.constant 0 : i32
    %c0_i32_0 = arith.constant 0 : i32
    %c0_i32_1 = arith.constant 0 : i32
    return %arg0, %c0_i32, %c0_i32_0 : i32, i32, i32
  }
}

</mosaic_0001>

<sc_bundles>
// kernel: scatter_offload_async_start
scs
__scs_entry_jumppad:
0x0: {  	(pc) =	sbr.rel $0x88, $3  }
0x1: {  	(tag) =	ssettag $0x0;
	lr =	simm.s32 $0x1  }
0x2: {  	[smem:$0x3F8F] =	sst lr;
	_ =	strace $0xD0000000  }
0x3: {  	_ = 	snop  }
0x4: {  	_ = 	snop  }
0x5: {  	_ = 	snop  }
0x6: {  	_ = 	snop  }
0x7: {  	_ = 	snop  }
__scs_overlays_trampoline_lowered:
0x8: {  	[smem:$0x3F9E] =	sst s0  }
0x9: {  	[smem:$0x3F9F] =	sst s1  }
0xa: {  	[smem:$0x3FA0] =	sst s2  }
0xb: {  	[smem:$0x3FA1] =	sst s3  }
0xc: {  	[smem:$0x3FA2] =	sst s4  }
0xd: {  	[smem:$0x3FA3] =	sst s5  }
0xe: {  	[smem:$0x3FA4] =	sst s6  }
0xf: {  	[smem:$0x3FA5] =	sst s7  }
0x10: {  	[smem:$0x3FA6] =	sst s8  }
0x11: {  	[smem:$0x3FA7] =	sst s9;
	s0 =	simm.s32 @!p0 $0x0  }
0x12: {  	s1 =	sld [smem:$0x3F8D];
	s0 =	simm.s32 @p0 $0x1  }
0x13: {  	[smem:$0x3FA8] =	sst s0;
	s0 =	simm.s32 @!p1 $0x0  }
0x14: {  	s2 =	sld [smem:$0x3F8C];
	s0 =	simm.s32 @p1 $0x1  }
0x15: {  	[smem:$0x3FA9] =	sst s0;
	s0 =	simm.s32 @!p2 $0x0  }
0x16: {  	s3 =	sld [smem:$0x3FDB];
	s0 =	simm.s32 @p2 $0x1  }
0x17: {  	s4 =	simm.s32 $0x1BF5;
	[smem:$0x3FAB] =	sst s0  }
0x18: {  	s0 =	sld [smem:$0x3F8E];
	_ =	swait.ge [sflag:s4], $0x0  }
0x19: {  	s7 =	sld [smem:$0x3F8F]  }
0x1a: {  	s8 =	sadd.s32 $0xFFFFE003, lr  }
0x1b: {  	s9 =	sadd.s32 $0xFFFFFEF7, lr;
	s5 =	simm.s32 $0xFFFFFFFF;
	p2 =	slt.u32 s8, $0xFFFFF086  }
0x1c: {  	p1 =	slt.u32 s9, $0xF7A;
	s5 =	simm.s32 @!p2 $0x0  }
0x1d: {  	s5 =	simm.s32 @p1 $0x1;
	p0 =	seq.s32 s7, s2  }
0x1e: {  	s7 =	smul.u32 @!p0 $0xF7A, s2;
	p2 =	seq.s32 @!p0 s5, $0x0  }
0x1f: {  	s9 =	smul.u32 $0xF7A, s1;
	s8 =	simm.s32 @!p0 $0x1BF5;
	p2 =	por !p2, p0  }
0x20: {  	[sflag:s8] =	ssyncset.s32 @!p0 $0xFFFFF086;
	s6 =	sadd.s32 @!p0 s3, s7;
	s7 =	simm.s32 @!p0 $0x108  }
0x21: {  	s3 =	sadd.s32 s3, s9;
	s6 =	sadd.s32 @!p0 $0x88, s6;
	s7 =	simm.s32 @p2 $0x1082  }
0x22: {  	[simem:s7], [sflag:s8] =	dma.local @!p0 [hbm:s6], $0xF7A  }
0x23: {  	s9 =	sor.u32 $0xD0000000, s2;
	s6 =	simm.s32 $0x108;
	_ =	swait.ge @!p0 [sflag:s8], $0x0  }
0x24: {  	s3 =	sadd.s32 $0x88, s3;
	s6 =	simm.s32 @!p1 $0x1082;
	[sflag:s4] =	ssyncset.s32 $0xFFFFF086  }
0x25: {  	[simem:s6], [sflag:s4] =	dma.local [hbm:s3], $0xF7A  }
0x26: {  	[smem:$0x3F8F] =	sst s1;
	(tag) =	ssettag s2;
	_ =	strace s9  }
0x27: {  	s1 =	sld [smem:$0x3F9F]  }
0x28: {  	s2 =	sld [smem:$0x3FA0]  }
0x29: {  	s4 =	sld [smem:$0x3FA2]  }
0x2a: {  	p0 =	seq.s32 s5, $0x0;
	s5 =	sld [smem:$0x3FA3]  }
0x2b: {  	s6 =	sld [smem:$0x3FA4]  }
0x2c: {  	s7 =	sld [smem:$0x3FA5]  }
0x2d: {  	s3 =	simm.s32 $0x108;
	s8 =	sld [smem:$0x3FA6]  }
0x2e: {  	s3 =	simm.s32 @!p0 $0x1082;
	s9 =	sld [smem:$0x3FA7]  }
0x2f: {  	lr =	sadd.s32 s0, s3;
	s0 =	sld [smem:$0x3F9E]  }
0x30: {  	s3 =	sld [smem:$0x3FA1]  }
0x31: {  	[smem:$0x3FAA] =	sst s10  }
0x32: {  	s10 =	sld [smem:$0x3FA8];
	_ =	sdelay $0x3  }
0x33: {  	p0 =	seq.s32 s10, $0x1;
	s10 =	sld [smem:$0x3FAA];
	_ =	sdelay $0x3  }
0x34: {  	[smem:$0x3FAA] =	sst s10  }
0x35: {  	s10 =	sld [smem:$0x3FA9];
	_ =	sdelay $0x3  }
0x36: {  	p1 =	seq.s32 s10, $0x1;
	s10 =	sld [smem:$0x3FAA];
	_ =	sdelay $0x3  }
0x37: {  	[smem:$0x3FAA] =	sst s10  }
0x38: {  	s10 =	sld [smem:$0x3FAB]  }
0x39: {  	_ = 	snop;
	(pc) =	sbr.ind lr, $3  }
0x3a: {  	_ = 	snop  }
0x3b: {  	_ = 	snop  }
0x3c: {  	p2 =	seq.s32 s10, $0x1;
	s10 =	sld [smem:$0x3FAA]  }
0x3d: {  	_ =	shalt  }
0x3e: {  	_ =	shalt  }
0x3f: {  	_ =	shalt  }
0x40: {  	_ =	shalt  }
0x41: {  	_ =	shalt  }
0x42: {  	_ =	shalt  }
0x43: {  	_ =	shalt  }
0x44: {  	_ =	shalt  }
0x45: {  	_ =	shalt  }
0x46: {  	_ =	shalt  }
0x47: {  	_ =	shalt  }
0x48: {  	_ =	shalt  }
0x49: {  	_ =	shalt  }
0x4a: {  	_ =	shalt  }
0x4b: {  	_ =	shalt  }
0x4c: {  	_ =	shalt  }
0x4d: {  	_ =	shalt  }
0x4e: {  	_ =	shalt  }
0x4f: {  	_ =	shalt  }
0x50: {  	_ =	shalt  }
0x51: {  	_ =	shalt  }
0x52: {  	_ =	shalt  }
0x53: {  	_ =	shalt  }
0x54: {  	_ =	shalt  }
0x55: {  	_ =	shalt  }
0x56: {  	_ =	shalt  }
0x57: {  	_ =	shalt  }
0x58: {  	_ =	shalt  }
0x59: {  	_ =	shalt  }
0x5a: {  	_ =	shalt  }
0x5b: {  	_ =	shalt  }
0x5c: {  	_ =	shalt  }
0x5d: {  	_ =	shalt  }
0x5e: {  	_ =	shalt  }
0x5f: {  	_ =	shalt  }
0x60: {  	_ =	shalt  }
0x61: {  	_ =	shalt  }
0x62: {  	_ =	shalt  }
0x63: {  	_ =	shalt  }
0x64: {  	_ =	shalt  }
0x65: {  	_ =	shalt  }
0x66: {  	_ =	shalt  }
0x67: {  	_ =	shalt  }
0x68: {  	_ =	shalt  }
0x69: {  	_ =	shalt  }
0x6a: {  	_ =	shalt  }
0x6b: {  	_ =	shalt  }
0x6c: {  	_ =	shalt  }
0x6d: {  	_ =	shalt  }
0x6e: {  	_ =	shalt  }
0x6f: {  	_ =	shalt  }
0x70: {  	_ =	shalt  }
0x71: {  	_ =	shalt  }
0x72: {  	_ =	shalt  }
0x73: {  	_ =	shalt  }
0x74: {  	_ =	shalt  }
0x75: {  	_ =	shalt  }
0x76: {  	_ =	shalt  }
0x77: {  	_ =	shalt  }
0x78: {  	_ =	shalt  }
0x79: {  	_ =	shalt  }
0x7a: {  	_ =	shalt  }
0x7b: {  	_ =	shalt  }
0x7c: {  	_ =	shalt  }
0x7d: {  	_ =	shalt  }
0x7e: {  	_ =	shalt  }
0x7f: {  	_ =	shalt  }
0x80: {  	_ =	shalt  }
0x81: {  	_ =	shalt  }
0x82: {  	_ =	shalt  }
0x83: {  	_ =	shalt  }
0x84: {  	_ =	shalt  }
0x85: {  	_ =	shalt  }
0x86: {  	_ =	shalt  }
0x87: {  	_ =	shalt  }
.Lfunc_end0:
.L_simem_size_0:
called_computation_lowered:
.L_overlay_start_0:
0x88: {  	s0 =	sld [smem:$0x3FD9]  }
0x89: {  	s1 =	sld [smem:$0x3FFE];
	_ =	sdelay $0x3  }
0x8a: {  	s0 =	sadd.s32 s1, s0  }
0x8b: {  	[smem:$0x3FB6] =	sst s0  }
0x8c: {  	_ = 	snop  }
0x8d: {  	(tm) =	ssettm $0x1  }
0x8e: {  	s15 =	sld [smem:$0x3FFB];
	_ =	sdelay $0x3  }
0x8f: {  	_ =	strace s15  }
0x90: {  	s0 =	sld [smem:$0x3FFC];
	_ =	sdelay $0x3  }
0x91: {  	_ =	strace s0  }
0x92: {  	s0 =	sld [smem:$0x3FFD];
	_ =	sdelay $0x3  }
0x93: {  	_ =	strace s0  }
0x94: {  	_ =	strace $0x8FFFFFFF  }
0x95: {  	s16 =	sld [smem:$0x3FDB];
	_ =	sdelay $0x1  }
0x96: {  	s17 =	simm.s32 $_scs_section_size  }
0x97: {  	s2 =	simm.s32 $_size__tile_overlayer_lowered;
	s3 =	simm.s32 $_tile_overlayer_lowered  }
0x98: {  	s20 =	simm.s32 $0x1BFF;
	s19 =	sshll.u32 s3, $0x1;
	s0 =	sadd.s32 s17, s16  }
0x99: {  	s4 =	simm.s32 $0x0;
	s18 =	sshll.u32 s2, $0x1;
	s2 =	sadd.s32 s19, s0  }
0x9a: {  	[timem:s4], [sflag:s20] =	dma.local [hbm:s2], s18  }
0x9b: {  	_ =	swait.ge [sflag:s20], s18  }
0x9c: {  	s1 =	ssub.s32 $0x0, s18;
	[sflag:s20] =	ssyncset.done $0x0  }
0x9d: {  	[sflag:s20] =	ssyncadd.s32 s1;
	_ =	sdelay $0x1  }
0x9e: {  	s21 =	simm.s32 $0x1B8B  }
0x9f: {  	_ =	swait.ge [sflag:s21], $0x1  }
0xa0: {  	[sflag:s21] =	ssyncset.done $0x0  }
0xa1: {  	s23 =	simm.s32 $0x1B8E;
	s22 =	sld [smem:$0x3FFE];
	[sflag:s21] =	ssyncadd.s32 $0xFFFFFFFF  }
0xa2: {  	s24 =	simm.s32 $execute0_lowered;
	[smem:$0x3FD2] =	sst s23  }
0xa3: {  	s2 =	sshll.u32 s24, $0x1;
	_ =	strace $0x80000046;
	[dreg:$0x1] =	wrdreg $0xFFFFFFFF  }
0xa4: {  	s25 =	simm.s32 $_size_execute0_lowered;
	s0 =	sadd.s32 s0, s2;
	[dreg:$0x0] =	wrdreg $0x0  }
0xa5: {  	s2 =	sshll.u32 s25, $0x1;
	[dreg:$0x2] =	wrdreg s0  }
0xa6: {  	[dreg:$0x3] =	wrdreg s2  }
0xa7: {  	[dreg:$0x4] =	wrdreg $0xC0  }
0xa8: {  	_ =	task [dreg:s4], $0x5FFFF  }
0xa9: {  	[dreg:$0x1] =	wrdreg $0xFFFFFFFF  }
0xaa: {  	[dreg:$0x0] =	wrdreg $0x60  }
0xab: {  	[dreg:$0x2] =	wrdreg s22  }
0xac: {  	[dreg:$0x3] =	wrdreg $0x9  }
0xad: {  	_ =	task.clear_ibuf [dreg:s4], $0x4FFFF;
	_ =	strace $0x90000046  }
0xae: {  	s26 =	simm.s32 $0x9;
	_ =	strace $0x80000048  }
0xaf: {  	_ =	swait.ge [sflag:s26], $0x1  }
0xb0: {  	[sflag:s26] =	ssyncadd.s32 $0xFFFFFFFF  }
0xb1: {  	_ =	strace $0x90000048  }
0xb2: {  	_ =	sfence  }
0xb3: {  	s28 =	sld [smem:$0x0];
	_ =	sdelay $0x1  }
0xb4: {  	s29 =	srdreg.scid  }
0xb5: {  	s30 =	sshll.u32 s29, $0xD;
	s31 =	sshrl.u32 s29, $0x2  }
0xb6: {  	s1 =	sand.u32 $0x1, s29;
	s2 =	sand.u32 $0x4000, s30;
	s0 =	sadd.s32 s31, s28  }
0xb7: {  	s1 =	sor.u32 s2, s1;
	s0 =	sshll.u32 s0, $0x11  }
0xb8: {  	s0 =	sor.u32 s0, s1  }
0xb9: {  	s0 =	sadd.s32 $0x8F2B, s0  }
0xba: {  	[sflag:s0] =	ssyncadd.remote.s32 $0x1  }
0xbb: {  	_ =	sfence.sel $0xFFFF  }
0xbc: {  	[dreg:$0x0] =	wrdreg $0xFFFFFFFF;
	(pc) =	sbr.abs _section_cstart, $3  }
0xbd: {  	[dreg:$0x1] =	wrdreg $0xFFFFFFFF  }
0xbe: {  	_ =	task.clear_ibuf [dreg:s4], $0x2FFFF;
	_ =	strace $0x9FFFFFFF  }
0xbf: {  	(tm) =	ssettm $0x7FFFFFFF  }
tec
execute0_lowered:
.L_overlay_start_1:
0x0: {  	(tag) =	ssettag $0x1  }
0x1: {  	s3 =	rddreg [dreg:$0x0]  }
0x2: {  	s0 =	rddreg [dreg:$0x1];
	_ =	strace $0x80000047;
	s2 =	simm.s32 $0x1  }
0x3: {  	v1 =	vimm.s32 $0xFFFFFFFF;
	[sflag:s2] =	ssyncpa.u1 $0x0  }
0x4: {  	[tilespmem:$0x10] =	vst v1  }
0x5: {  	v0 =	vimm.f32 $0.0e+00;
	[tilespmem:$0x20] =	vst v1  }
0x6: {  	[tilespmem:$0x30] =	vst v0  }
0x7: {  	[tilespmem:$0x40] =	vst v0  }
0x8: {  	[tilespmem:$0x50] =	vst v0  }
0x9: {  	s6 =	simm.s32 $0x2;
	s7 =	simm.s32 $0x8;
	[tilespmem:$0x60] =	vst v1  }
0xa: {  	s10 =	simm.s32 $0x9;
	s14 =	simm.s32 $0x0;
	s15 =	simm.s32 $0xFFFFE000;
	[tilespmem:$0x70] =	vst v1  }
0xb: {  	p0 =	por $0x0, $0x0;
	s16 =	simm.s32 $0xFFFFC100;
	s17 =	simm.s32 $0xFFFFFFFE;
	[tilespmem:$0x80] =	vst v1  }
0xc: {  	s18 =	simm.s32 $0xF;
	s19 =	simm.s32 $0x30;
	s22 =	simm.s32 $0x0;
	v1 =	vimm.s32 $0x0;
	[tilespmem:$0xB0] =	vst v0  }
0xd: {  	s20 =	simm.s32 $0x0;
	s1 =	sadd.s32 $0xF5200, s3;
	s4 =	sadd.s32 $0x4800, s3;
	[tilespmem:$0x90] =	vst v1  }
.Ltmp0:
0xe: {  	[tilespmem:$0xA0] =	vst v1;
	[sflag:s6] =	ssyncpa.u1 $0x0;
	s6 =	simm.s32 $0x7;
	(pc) =	sbr.rel .LBB2_1-.Ltmp0, $4  }
0xf: {  	s5 =	sadd.s32 $0x14800, s3;
	s3 =	stileid.u32;
	[sflag:s6] =	ssyncpa.u1 $0x0  }
0x10: {  	s8 =	sshll.u32 s3, $0xF;
	s12 =	sshllo.u32 s3, $0x1;
	[sflag:s7] =	ssyncpa.u1 $0x0  }
0x11: {  	vm0 =	vmmov $0xffff;
	v2 =	vlaneseq.u32;
	s9 =	sadd.s32 $0x8000, s8;
	[sflag:s10] =	ssyncpa.u1 $0x0;
	s10 =	sshll.u32 s3, $0x1  }
0x12: {  	vm1 =	vmxor vm1, vm1;
	vm2 =	vmmov $0x1;
	vm3 =	vcmask $0x3F3C;
	s21 =	smov.u32 s8;
	s11 =	sor.u32 $0x81, s10;
	s13 =	sor.u32 $0x80, s10  }
.LBB2_10:
0x13: {  	p1 =	slt.u32 s20, $0x3  }
0x14: {  	s22 =	simm.s32 @!p1 $0x2  }
0x15: {  	_ =	swait.ge @!p1 [sflag:s22], $0x2000  }
0x16: {  	[sflag:s22] =	ssyncset.done @!p1 $0x0  }
0x17: {  	[sflag:s22] =	ssyncadd.s32 @!p1 $0xFFFFE000;
	s22 =	simm.s32 @!p1 $0x9  }
0x18: {  	_ =	swait.ge @!p1 [sflag:s22], $0x10  }
0x19: {  	s23 =	sadd.s32 $0x2000, s21;
	s24 =	smov.u32 s8;
	[sflag:s22] =	ssyncset.done @!p1 $0x0  }
0x1a: {  	s20 =	sadd.s32 $0x1, s20;
	[sflag:s22] =	ssyncadd.s32 @!p1 $0xFFFFFFF0;
	p1 =	slt.s32 s23, s9  }
0x1b: {  	s24 =	smov.u32 @p1 s23;
	p1 =	sne.s32 s20, $0x7  }
.Ltmp1:
0x1c: {  	_ = 	snop;
	(pc) =	sbr.rel @!p1 .LBB2_11-.Ltmp1, $3  }
0x1d: {  	_ =	sdelay $0x1  }
0x1e: {  	s15 =	sadd.s32 $0x2000, s15;
	p0 =	por !p0, !p0;
	s16 =	sadd.s32 $0x2000, s16  }
0x1f: {  	s17 =	sadd.s32 $0x1, s17;
	s22 =	smov.u32 s21;
	s21 =	smov.u32 s24  }
.LBB2_1:
0x20: {  	p1 =	sgt.u32 s20, $0x3  }
0x21: {  	p2 =	seq.s32 @!p1 s20, $0x3  }
0x22: {  	s23 =	sshll.u32 @!p1 s20, $0xF;
	p2 =	por !p2, p1  }
0x23: {  	s23 =	simm.s32 @!p2 $0x0  }
0x24: {  	s24 =	sshrl.u32 @!p1 s21, $0x3;
	s23 =	sshrl.u32 @!p1 s23, $0x2  }
0x25: {  	s25 =	sand.u32 @!p1 $0x7, s21;
	s24 =	sadd.s32 @!p1 s4, s24;
	s23 =	sor.u32 @!p1 $0x100, s23  }
0x26: {  	[tilespmem:s23], [sflag:$0x7] =	stream.linear.gather @!p1 [hbm4b:s24+s25], $0x2000, $0x38;
	[tilespmem:$0x12120] =	vst v63  }
0x27: {  	s24 =	sadd.s32 $0xFFFFFFFF, s20  }
0x28: {  	p1 =	sgt.u32 s24, $0x3  }
.Ltmp2:
0x29: {  	_ = 	snop;
	(pc) =	sbr.rel @p1 .LBB2_5-.Ltmp2, $1  }
0x2a: {  	_ =	sdelay $0x3  }
0x2b: {  	s23 =	sadd.s32 $0x1FFFC, s20;
	p1 =	seq.s32 s24, $0x3;
	s25 =	smov.u32 s24  }
0x2c: {  	s25 =	smov.u32 @p1 s23  }
0x2d: {  	s23 =	sshll.u32 s25, $0xF  }
0x2e: {  	_ =	swait.ge [sflag:s6], $0x2000;
	s23 =	sshra.s32 s23, $0x2  }
0x2f: {  	[sflag:s6] =	ssyncset.done $0x0;
	s28 =	sor.u32 $0x100, s23  }
0x30: {  	[sflag:s6] =	ssyncadd.s32 $0xFFFFE000;
	(ifvalue) =	ssetifvalue $0xFFFFFFFF;
	v3 =	vld.msk [tilespmem:s28+$0x0 ss:$0x1], $0xffff;
	_ =	sdelay $0x2  }
0x31: {  	p1 =	sne.s32 s20, $0x1  }
0x32: {  	v4 =	vimm.s32 @!p1 $0x0  }
0x33: {  	v4 =	vperm.xlane @!p1 v3, v4  }
0x34: {  	s29 =	sshll.u32 s20, $0x4;
	vm4 =	vlt.u32 v3, $0x2400000  }
0x35: {  	s25 =	sand.u32 $0x10, s29;
	v3 =	vnsel vm4, $0xFFFFFFFE, v3;
	vm4 =	vlt.u32 @!p1 v4, $0x2400000  }
0x36: {  	[tilespmem:s25+$0x60] =	vst v3;
	v3 =	vnsel @!p1 vm4, $0xFFFFFFFE, v4  }
0x37: {  	s28 =	sadd.s32 $0x20F0, s23;
	[tilespmem:$0x80] =	vst @!p1 v3  }
0x38: {  	v3 =	vld.msk [tilespmem:s28+$0x0 ss:$0x1], $0xffff;
	_ =	sdelay $0x4  }
0x39: {  	(xrf1) =	vunique.msk.u32 $0xffff, v3;
	_ =	sdelay $0xd  }
0x3a: {  	v4 =	vimm.s32 $0xFFFFFFFF;
	v5, _, _ =	vpop (xrf1)  }
0x3b: {  	vm5 =	vne.s32 v3, v4;
	vm4 =	veq.s32 v5, v2  }
0x3c: {  	vm6 =	vlt.u32 v3, $0x2400000;
	vm4 =	vmand vm5, vm4  }
0x3d: {  	vm4 =	vmand vm6, vm4  }
0x3e: {  	v4 =	vnsel vm4, $0xFFFFFFFF, v3;
	_ =	sdelay $0x2  }
0x3f: {  	s30 =	sand.u32 $0x2000, s15  }
0x40: {  	s31 =	sshll.u32 s24, $0xD;
	s23 =	sor.u32 $0x80F0, s30;
	(ifvalue) =	ssetifvalue $0xFFFFFFFF  }
0x41: {  	v3 =	vperm.xlane v3, v1;
	[tilespmem:s23], [sflag:$0x8] =	stream.indirect_vreg.gather [hbm4b:s1+s14], $0x1, v4, vm0, $0x4038;
	v4 =	vnsel vm6, $0xFFFFFFFE, v4;
	[tilespmem:$0x12120] =	vst v63  }
0x42: {  	s24 =	sand.u32 $0x2000, s31;
	s26 =	sadd.s32 $0xFFFFFFF0, s28;
	s25 =	simm.s32 $0x0;
	[tilespmem:s28+$0x0] =	vst v4  }
.LBB2_3:
0x43: {  	v4 =	vld.msk [tilespmem:s26+$0x0 ss:$0x1], $0xffff;
	s25 =	sadd.s32 $0x10, s25;
	v5 =	vmov v3;
	s28 =	smov.u32 s26  }
0x44: {  	p1 =	slt.u32 s25, $0x1FF0;
	_ =	sdelay $0x4  }
0x45: {  	v3 =	vperm.xlane v4, v1;
	(xrf1) =	vunique.msk.u32 $0xffff, v4;
	_ =	sdelay $0xd  }
0x46: {  	v6, _, _ =	vpop (xrf1)  }
0x47: {  	vm5 =	vne.s32 v4, v5;
	vm4 =	veq.s32 v6, v2  }
0x48: {  	vm6 =	vlt.u32 v4, $0x2400000;
	vm4 =	vmand vm5, vm4  }
0x49: {  	vm4 =	vmand vm6, vm4  }
0x4a: {  	v4 =	vnsel vm4, $0xFFFFFFFF, v4  }
.Ltmp3:
0x4b: {  	v5 =	vnsel vm6, $0xFFFFFFFE, v4;
	(pc) =	sbr.rel @p1 .LBB2_3-.Ltmp3, $3  }
0x4c: {  	_ =	sdelay $0x1  }
0x4d: {  	s26 =	sadd.s32 $0xFFFFFFF0, s26;
	s23 =	sadd.s32 $0xFFFFFFF0, s23;
	(ifvalue) =	ssetifvalue $0xFFFFFFFF  }
0x4e: {  	[tilespmem:s23], [sflag:$0x8] =	stream.indirect_vreg.gather [hbm4b:s1+s14], $0x1, v4, vm0, $0x4038;
	[tilespmem:s28+$0x0] =	vst v5  }
0x4f: {  	s22 =	sshrl.u32 s22, $0x3  }
0x50: {  	s23 =	sadd.s32 $0xA100, s24;
	s22 =	sadd.s32 s5, s22  }
0x51: {  	[tilespmem:s23], [sflag:$0x8] =	stream.linear.gather [hbm:s22], $0x2000, $0x38;
	[tilespmem:$0x12120] =	vst v63  }
.LBB2_5:
0x52: {  	p1 =	sgt.u32 s20, $0x6  }
.Ltmp4:
0x53: {  	_ = 	snop;
	(pc) =	sbr.rel @p1 .LBB2_7-.Ltmp4, $1  }
0x54: {  	_ =	sdelay $0x3  }
0x55: {  	s22 =	sshll.u32 s2, s20  }
0x56: {  	s22 =	sand.u32 $0x43, s22  }
0x57: {  	p1 =	sne.s32 s22, $0x0  }
.Ltmp5:
0x58: {  	_ = 	snop;
	(pc) =	sbr.rel @p1 .LBB2_10-.Ltmp5, $1  }
0x59: {  	_ =	sdelay $0x3  }
.LBB2_7:
0x5a: {  	s22 =	sadd.s32 $0xFFFFFFFE, s20  }
0x5b: {  	s23 =	smulhi.u32 $0xAAAAAAAB, s22;
	_ =	sdelay $0x1  }
0x5c: {  	s23 =	sshrl.u32 s23, $0x1  }
0x5d: {  	s23 =	smul.u32 $0x3, s23;
	_ =	sdelay $0x1  }
0x5e: {  	_ =	swait.ge [sflag:s7], $0x4000;
	s22 =	ssub.s32 s22, s23  }
0x5f: {  	p1 =	sne.s32 s20, $0x5;
	[sflag:s7] =	ssyncset.done $0x0;
	s26 =	sshll.u32 s22, $0xD  }
0x60: {  	[sflag:s7] =	ssyncadd.s32 $0xFFFFC000;
	s22 =	sadd.s32 @!p1 $0x20FF, s26  }
0x61: {  	[spmem:s11] =	stream.linear.scatter @!p1 [tilespmem:s22], [sflag:$0x1], $0x1, $0x38;
	[tilespmem:$0x12120] =	vst v63  }
0x62: {  	s22 =	simm.s32 @!p1 $0x1  }
0x63: {  	_ =	swait.ge @!p1 [sflag:s22], $0x1  }
0x64: {  	s25 =	sshll.u32 s20, $0x4;
	[sflag:s22] =	ssyncset.done @!p1 $0x0  }
0x65: {  	[sflag:s22] =	ssyncadd.s32 @!p1 $0xFFFFFFFF;
	s22 =	sand.u32 $0x10, s25  }
0x66: {  	v4 =	vld [tilespmem:s22+$0x10];
	s28 =	sxor.u32 $0x10, s22  }
0x67: {  	v5 =	vld [tilespmem:s28+$0x60]  }
0x68: {  	v3 =	vld [tilespmem:$0x80];
	_ =	sdelay $0x2  }
0x69: {  	(v2sf) =	vpush v4, $0x0  }
0x6a: {  	(v2sf) =	vpush v5, $0x0  }
0x6b: {  	(v2sf) =	vpush v3, $0x0;
	_ =	sdelay $0xc  }
0x6c: {  	s23 =	spop (v2sf)  }
0x6d: {  	s25 =	spop (v2sf)  }
0x6e: {  	s24 =	spop (v2sf)  }
0x6f: {  	p2 =	seq.s32 s23, s25;
	p3 =	seq.s32 s24, s23  }
0x70: {  	p3 =	por p2, p3  }
0x71: {  	v4 =	vpsel p3, $0xFFFFFFFF, v4  }
0x72: {  	s23 =	sand.u32 $0x1, s20;
	[tilespmem:s22+$0x10] =	vst.msk $0x1, v4  }
0x73: {  	s25 =	sshll.u32 s23, $0xD;
	v4 =	vld [tilespmem:$0x30]  }
0x74: {  	v5 =	vld [tilespmem:s25+$0xA100]  }
0x75: {  	v6 =	vld [tilespmem:s22+$0x40];
	_ =	sdelay $0x3  }
0x76: {  	vm4 =	vmmov vm1;
	v5 =	vadd.f32 v5, v4  }
0x77: {  	vm5 =	vmmov vm2;
	vm4 =	vmmov @p2 vm2;
	s23 =	sshll.u32 s23, $0x4;
	v4 =	vadd.f32 v6, v4  }
0x78: {  	vm5 =	vmmov @p3 vm1;
	s23 =	sor.u32 $0x12100, s23;
	[tilespmem:s25+$0xA100] =	vst.msk vm4, v5  }
0x79: {  	[tilespmem:s23+$0x0] =	vst.msk vm5, v4  }
0x7a: {  	v4 =	vld [tilespmem:s25+$0x80F0];
	_ =	sdelay $0x3  }
0x7b: {  	v5 =	vimm.f32 $0.0e+00  }
0x7c: {  	v4 =	vshift.insert v4, v5, s18  }
0x7d: {  	s29 =	sor.u32 $0x40, s28  }
0x7e: {  	[tilespmem:s29+$0x0] =	vst.msk $0x1, v4  }
0x7f: {  	[tilespmem:s25+$0x80FF] =	vst.msk $0x1, v5  }
0x80: {  	v4 =	vld [tilespmem:s26+$0x20F0];
	_ =	sdelay $0x1  }
0x81: {  	s26 =	smulhi.u32 $0xAAAAAAAB, s17;
	_ =	sdelay $0x1  }
0x82: {  	s29 =	simm.s32 $0x1;
	s26 =	sshrl.u32 s26, $0x1  }
0x83: {  	s29 =	simm.s32 @!p0 $0x0;
	s30 =	smul.u32 $0xFFFE8000, s26;
	v4 =	vshift.insert v4, v1, s18  }
0x84: {  	s29 =	sshll.u32 s29, $0xD  }
0x85: {  	s26 =	sadd.s32 $0xA100, s29;
	s30 =	sshra.s32 s30, $0x2;
	[tilespmem:s28+$0x10] =	vst.msk $0x1, v4  }
0x86: {  	s31 =	sadd.s32 s30, s16;
	v6 =	vld [tilespmem:s26+$0x0]  }
0x87: {  	v7 =	vld [tilespmem:s31+$0x0];
	_ =	sdelay $0x3  }
0x88: {  	v5 =	vadd.f32 v6, v5  }
0x89: {  	vm4 =	vne.s32 v7, $0xFFFFFFFF  }
0x8a: {  	(xrf2) =	vadd.seg.scan.f32 vm4, v5;
	_ =	sdelay $0x3  }
0x8b: {  	s28 =	sadd.s32 $0x6100, s29;
	v5 =	vperm.xlane v4, v1  }
0x8c: {  	v6 =	vld [tilespmem:s28+$0x0]  }
0x8d: {  	vm5 =	veq.s32 v7, v3;
	vm6 =	veq.s32 v7, v5  }
0x8e: {  	vm7 =	vgt.u32 v7, $0xFFFFFFFD;
	vm6 =	vmor vm6, vm5  }
0x8f: {  	vm6 =	vmor vm6, vm7  }
0x90: {  	v9 =	vld [tilespmem:$0xA0];
	v7 =	vsel vm6, $0xFFFFFFFF, v7  }
0x91: {  	v10 =	vld [tilespmem:$0x90];
	v6 =	vsel vm5, $0x0, v6;
	v8, _, _ =	vpop (xrf2)  }
0x92: {  	v6 =	vadd.f32 v8, v6  }
0x93: {  	s29 =	sadd.s32 $0xE100, s29  }
0x94: {  	vm4 =	vmand vm4, vm3;
	[tilespmem:s29+$0x0] =	vst v6;
	(ifvalue) =	ssetifvalue $0xFFFFFFFF  }
0x95: {  	vm6 =	veq.s32 v9, $0x1;
	[hbm4b:s1+s14] =	stream.indirect_vreg.scatter [tilespmem:s29], [sflag:$0x2], $0x1, v7, vm0, $0x4038;
	v7 =	vsel vm4, $0x0, v8;
	[tilespmem:$0x12120] =	vst v63  }
0x96: {  	s30 =	simm.s32 $0x0;
	s31 =	sadd.s32 $0x10, s31;
	vm4 =	vmor vm6, vm5;
	v6 =	vsel vm5, v8, v10;
	v7 =	vshift.insert v7, v0, s18  }
.LBB2_8:
0x97: {  	v8 =	vld [tilespmem:s31+$0x0];
	s26 =	sadd.s32 $0x10, s26  }
0x98: {  	s28 =	sadd.s32 $0x10, s28;
	v9 =	vld [tilespmem:s26+$0x0]  }
0x99: {  	s30 =	sadd.s32 $0x10, s30;
	v10 =	vld [tilespmem:s28+$0x0]  }
0x9a: {  	p2 =	slt.u32 s30, $0x1FF0;
	_ =	sdelay $0x2  }
0x9b: {  	v7 =	vadd.f32 v9, v7  }
0x9c: {  	vm5 =	vne.s32 v8, $0xFFFFFFFF  }
0x9d: {  	vm6 =	vmand vm5, vm3;
	(xrf2) =	vadd.seg.scan.f32 vm5, v7;
	_ =	sdelay $0x5  }
0x9e: {  	vm7 =	veq.s32 v8, v5;
	vm5 =	veq.s32 v8, v3  }
0x9f: {  	vm8 =	vgt.u32 v8, $0xFFFFFFFD;
	vm4 =	vmor vm4, vm5;
	vm7 =	vmor vm7, vm5  }
0xa0: {  	vm7 =	vmor vm7, vm8  }
0xa1: {  	v8 =	vsel vm7, $0xFFFFFFFF, v8  }
.Ltmp6:
0xa2: {  	v7 =	vsel vm5, $0x0, v10;
	v9, _, _ =	vpop (xrf2);
	(pc) =	sbr.rel @p2 .LBB2_8-.Ltmp6, $4  }
0xa3: {  	v6 =	vsel vm5, v9, v6;
	v10 =	vadd.f32 v9, v7;
	v7 =	vsel vm6, $0x0, v9  }
0xa4: {  	s29 =	sadd.s32 $0x10, s29;
	v7 =	vshift.insert v7, v0, s18  }
0xa5: {  	s31 =	sadd.s32 $0x10, s31;
	[tilespmem:s29+$0x0] =	vst v10;
	(ifvalue) =	ssetifvalue $0xFFFFFFFF  }
0xa6: {  	[hbm4b:s1+s14] =	stream.indirect_vreg.scatter [tilespmem:s29], [sflag:$0x2], $0x1, v8, vm0, $0x4038;
	[tilespmem:$0x12120] =	vst v63  }
0xa7: {  	v3 =	vld [tilespmem:s25+$0x100F0];
	_ =	sdelay $0x4  }
0xa8: {  	v3 =	vshift.insert v3, v0, s18;
	_ =	sdelay $0x1  }
0xa9: {  	[tilespmem:s19+$0x0] =	vst.msk $0x1, v3  }
0xaa: {  	v3 =	vsel vm4, $0x1, v1;
	[tilespmem:$0x90] =	vst v6  }
0xab: {  	s25 =	sadd.s32 @!p1 $0x100FF, s25;
	[tilespmem:$0xA0] =	vst v3  }
0xac: {  	[spmem:s12] =	stream.linear.scatter @!p1 [tilespmem:s25], [sflag:$0x1], $0x1, $0x38;
	[tilespmem:$0x12120] =	vst v63  }
0xad: {  	s25 =	simm.s32 @!p1 $0x1  }
0xae: {  	v3 =	vmctz.xlane @!p1 vm4;
	_ =	swait.ge @!p1 [sflag:s25], $0x1  }
0xaf: {  	(v2sf) =	vpush @!p1 v4, $0x0  }
0xb0: {  	(v2sf) =	vpush @!p1 v3, $0x0;
	_ =	sdelay $0xd  }
0xb1: {  	s26 =	spop @!p1 (v2sf)  }
0xb2: {  	s28 =	spop @!p1 (v2sf)  }
0xb3: {  	p2 =	sne.s32 @!p1 s24, s26;
	p3 =	slt.s32 @!p1 s28, $0xF  }
0xb4: {  	[sflag:s25] =	ssyncset.done @!p1 $0x0;
	p2 =	por p2, p1;
	p3 =	por !p3, p1  }
0xb5: {  	[sflag:s25] =	ssyncadd.s32 @!p1 $0xFFFFFFFF;
	v3 =	vimm.s32 @!p2 $0xFFFFFFFF;
	s28 =	simm.s32 @p3 $0xF  }
0xb6: {  	[tilespmem:$0x80] =	vst @!p2 v3;
	s24 =	sadd.s32 @!p1 $0x90, s28  }
0xb7: {  	[spmem:s10] =	stream.linear.scatter @!p1 [tilespmem:s24], [sflag:$0x1], $0x1, $0x38;
	[tilespmem:$0x12120] =	vst v63  }
0xb8: {  	_ =	swait.ge @!p1 [sflag:s25], $0x1  }
0xb9: {  	[sflag:s25] =	ssyncset.done @!p1 $0x0  }
0xba: {  	s24 =	simm.s32 @!p1 $0x80;
	[sflag:s25] =	ssyncadd.s32 @!p1 $0xFFFFFFFF  }
0xbb: {  	[spmem:s13] =	stream.linear.scatter @!p1 [tilespmem:s24], [sflag:$0x1], $0x1, $0x38;
	[tilespmem:$0x12120] =	vst v63  }
0xbc: {  	_ =	swait.ge @!p1 [sflag:s25], $0x1  }
0xbd: {  	[sflag:s25] =	ssyncset.done @!p1 $0x0  }
0xbe: {  	[sflag:s25] =	ssyncadd.s32 @!p1 $0xFFFFFFFF;
	(ifvalue) =	ssetifvalue $0xFFFFFFFF;
	v3 =	vld [tilespmem:s22+$0x10];
	_ =	sdelay $0x3  }
.Ltmp7:
0xbf: {  	_ = 	snop;
	(pc) =	sbr.rel .LBB2_10-.Ltmp7, $3  }
0xc0: {  	_ =	sdelay $0x1  }
0xc1: {  	(ifvalue) =	ssetifvalue $0xFFFFFFFF  }
0xc2: {  	[hbm4b:s1+s14] =	stream.indirect_vreg.scatter [tilespmem:s23], [sflag:$0x9], $0x1, v3, vm0, $0x4038;
	[tilespmem:$0x12120] =	vst v63  }
.LBB2_11:
0xc3: {  	_ =	sfence.sel $0x180000  }
0xc4: {  	s2 =	simm.s32 $0x7;
	[bflag:$0x0] =	sbarrier.arrive $0xFFFF  }
0xc5: {  	s26 =	simm.s32 $0x8;
	[sflag:s2] =	ssyncpa.u1 $0x1  }
0xc6: {  	s28 =	simm.s32 $0x9;
	[sflag:s26] =	ssyncpa.u1 $0x1  }
0xc7: {  	[sflag:s28] =	ssyncpa.u1 $0x1  }
0xc8: {  	_ =	sfence.stream.spmem  }
0xc9: {  	s29 =	simm.s32 $0x3;
	[bflag:$0x0] =	sbarrier.arrive $0xFFFF  }
0xca: {  	s30 =	simm.s32 $0x4;
	[sflag:s29] =	ssyncpa.u1 $0x1  }
0xcb: {  	s31 =	simm.s32 $0x3C;
	[sflag:s30] =	ssyncpa.u1 $0x1  }
0xcc: {  	p0 =	sne.s32 s3, $0x0;
	[sflag:s31] =	ssyncpa.u1 $0x1  }
0xcd: {  	s0 =	simm.s32 @p0 $0x1;
	_ =	sfence @p0  }
0xce: {  	[sflag:s0] =	ssyncpa.u1 @p0 $0x1;
	s0 =	simm.s32 @p0 $0x2  }
0xcf: {  	[sflag:s0] =	ssyncpa.u1 @p0 $0x1  }
0xd0: {  	_ =	strace @p0 $0x90000047  }
0xd1: {  	[bflag:$0x2] =	sbarrier.arrive @p0 $0xFFFF  }
0xd2: {  	_ =	shalt @p0  }
.LBB2_12:
0xd3: {  	_ =	sfence.stream.spmem;
	s4 =	simm.s32 $0x5  }
0xd4: {  	s2 =	simm.s32 $0x80;
	s3 =	simm.s32 $0xC0;
	[sflag:s4] =	ssyncpa.u1 $0x0  }
0xd5: {  	[tilespmem:s3], [sflag:$0x5] =	stream.linear.gather [spmem:s2], $0x20, $0x38;
	[tilespmem:$0x12120] =	vst v63  }
0xd6: {  	s2 =	simm.s32 $0x0;
	s3 =	simm.s32 $0xE0  }
0xd7: {  	[tilespmem:s3], [sflag:$0x5] =	stream.linear.gather [spmem:s2], $0x20, $0x38;
	[tilespmem:$0x12120] =	vst v63  }
.Ltmp8:
0xd8: {  	_ = 	snop;
	(pc) =	sbr.rel .LBB2_13-.Ltmp8, $4  }
0xd9: {  	_ =	swait.ge [sflag:s4], $0x40  }
0xda: {  	[sflag:s4] =	ssyncset.done $0x0  }
0xdb: {  	s31 =	simm.s32 $0x6;
	[sflag:s4] =	ssyncadd.s32 $0xFFFFFFC0  }
0xdc: {  	s4 =	simm.s32 $0x0;
	[sflag:s31] =	ssyncpa.u1 $0x0  }
.LBB2_18:
0xdd: {  	p0 =	sgt.u32 s5, $0x23FFFFF  }
0xde: {  	s6 =	sshrl.u32 @!p0 s5, $0x3  }
0xdf: {  	s5 =	sand.u32 @!p0 $0x7, s5;
	s7 =	simm.s32 @!p0 $0xB0;
	s6 =	sadd.s32 @!p0 s1, s6  }
0xe0: {  	[tilespmem:s7], [sflag:$0x6] =	stream.linear.gather @!p0 [hbm4b:s6+s5], $0x1, $0x38;
	[tilespmem:$0x12120] =	vst v63  }
0xe1: {  	s5 =	simm.s32 @!p0 $0x6  }
0xe2: {  	_ =	swait.ge @!p0 [sflag:s5], $0x1  }
0xe3: {  	[sflag:s5] =	ssyncset.done @!p0 $0x0  }
0xe4: {  	[sflag:s5] =	ssyncadd.s32 @!p0 $0xFFFFFFFF  }
0xe5: {  	v2 =	vmov @!p0 s4;
	v1 =	vld.msk @!p0 [tilespmem:$0xB0], $0x1;
	_ =	sdelay $0x3  }
0xe6: {  	s5 =	simm.s32 @!p0 $0xE0  }
0xe7: {  	[tilespmem:v2+s5+$0x0], v1 =	vst.idx.ret.add.f32.msk @!p0 $0x1, v1  }
0xe8: {  	[tilespmem:s2+$0xC0] =	vst.msk $0x1, v0  }
0xe9: {  	v0 =	vld.msk [tilespmem:s4+$0xE0], $0x1;
	_ =	sdelay $0x4  }
0xea: {  	[tilespmem:s2+$0xE0] =	vst.msk $0x1, v0;
	s2 =	sadd.s32 $0x1, s2  }
.LBB2_20:
0xeb: {  	s4 =	sadd.s32 $0x1, s4  }
0xec: {  	p0 =	sne.s32 s4, $0x20  }
.Ltmp9:
0xed: {  	_ = 	snop;
	(pc) =	sbr.rel @!p0 .LBB2_21-.Ltmp9, $1  }
0xee: {  	_ =	sdelay $0x3  }
.LBB2_13:
0xef: {  	v0 =	vld.msk [tilespmem:s4+$0xC0], $0x1;
	_ =	sdelay $0x4  }
0xf0: {  	(v2sf) =	vpush v0, $0x0;
	_ =	sdelay $0xe  }
0xf1: {  	s5 =	spop (v2sf)  }
0xf2: {  	p0 =	seq.s32 s5, $0xFFFFFFFF  }
.Ltmp10:
0xf3: {  	_ = 	snop;
	(pc) =	sbr.rel @p0 .LBB2_20-.Ltmp10, $1  }
0xf4: {  	_ =	sdelay $0x3  }
0xf5: {  	p0 =	slt.s32 s2, $0x1  }
.Ltmp11:
0xf6: {  	_ = 	snop;
	(pc) =	sbr.rel @p0 .LBB2_18-.Ltmp11, $1  }
0xf7: {  	_ =	sdelay $0x3  }
0xf8: {  	s6 =	simm.s32 $0xC0;
	p0 =	por $0x0, $0x0  }
0xf9: {  	v1 =	vld.msk @!p0 [tilespmem:s6+$0x0], $0x1;
	_ =	sdelay $0x4  }
0xfa: {  	(v2sf) =	vpush @!p0 v1, $0x0;
	_ =	sdelay $0xd  }
0xfb: {  	p2 =	sne.s32 s2, $0x1  }
.Ltmp12:
0xfc: {  	s7 =	spop @!p0 (v2sf);
	(pc) =	sbr.rel @!p2 .LBB2_17-.Ltmp12, $4  }
0xfd: {  	p1 =	seq.s32 @!p0 s5, s7  }
0xfe: {  	s7 =	simm.s32 $0x0;
	p1 =	por !p1, p0  }
0xff: {  	s9 =	simm.s32 $0xFFFFFFFF;
	s7 =	simm.s32 @p1 $0xFFFFFFFF  }
0x100: {  	s8 =	simm.s32 $0x1;
	s7 =	smov.u32 @p0 s9  }
.LBB2_16:
0x101: {  	s9 =	smov.u32 s7;
	p0 =	sne.s32 s7, $0xFFFFFFFF  }
0x102: {  	s6 =	sadd.s32 $0x1, s6;
	s7 =	smov.u32 s8;
	s8 =	sadd.s32 $0x1, s8  }
0x103: {  	p1 =	sne.s32 s2, s8;
	v1 =	vld.msk @!p0 [tilespmem:s6+$0x0], $0x1;
	_ =	sdelay $0x4  }
0x104: {  	(v2sf) =	vpush @!p0 v1, $0x0;
	_ =	sdelay $0xe  }
.Ltmp13:
0x105: {  	s10 =	spop @!p0 (v2sf);
	(pc) =	sbr.rel @p1 .LBB2_16-.Ltmp13, $4  }
0x106: {  	p2 =	seq.s32 @!p0 s5, s10  }
0x107: {  	p2 =	por !p2, p0  }
0x108: {  	s7 =	simm.s32 @p2 $0xFFFFFFFF  }
0x109: {  	s7 =	smov.u32 @p0 s9  }
.LBB2_17:
0x10a: {  	p0 =	sne.s32 s7, $0xFFFFFFFF  }
.Ltmp14:
0x10b: {  	_ = 	snop;
	(pc) =	sbr.rel @!p0 .LBB2_18-.Ltmp14, $1  }
0x10c: {  	_ =	sdelay $0x3  }
0x10d: {  	v0 =	vld.msk [tilespmem:s4+$0xE0], $0x1;
	v1 =	vmov s7  }
.Ltmp15:
0x10e: {  	_ = 	snop;
	(pc) =	sbr.rel .LBB2_20-.Ltmp15, $2  }
0x10f: {  	_ =	sdelay $0x2  }
0x110: {  	[tilespmem:v1+s3+$0x0], v0 =	vst.idx.ret.add.f32.msk $0x1, v0  }
.LBB2_21:
0x111: {  	p0 =	slt.s32 s2, $0x1  }
.Ltmp16:
0x112: {  	_ = 	snop;
	(pc) =	sbr.rel @p0 .LBB2_25-.Ltmp16, $3  }
0x113: {  	_ =	sdelay $0x1  }
0x114: {  	s3 =	simm.s32 $0x6  }
0x115: {  	[sflag:s3] =	ssyncpa.u1 $0x1;
	s3 =	simm.s32 $0x0  }
0x116: {  	s4 =	simm.s32 $0xC0  }
0x117: {  	v0 =	vld.msk [tilespmem:s4+$0x0], $0x1;
	_ =	sdelay $0x4  }
0x118: {  	(v2sf) =	vpush v0, $0x0;
	_ =	sdelay $0xe  }
0x119: {  	s2 =	sadd.s32 $0xFFFFFFFF, s2;
	s5 =	spop (v2sf)  }
0x11a: {  	p1 =	sne.s32 s2, $0x0;
	p0 =	sgt.u32 s5, $0x23FFFFF  }
.Ltmp17:
0x11b: {  	s6 =	sshrl.u32 @!p0 s5, $0x3;
	(pc) =	sbr.rel @!p1 .LBB2_24-.Ltmp17, $4  }
0x11c: {  	s4 =	simm.s32 $0xE0;
	s5 =	sand.u32 @!p0 $0x7, s5;
	s6 =	sadd.s32 @!p0 s1, s6  }
0x11d: {  	[hbm4b:s6+s5] =	stream.linear.scatter @!p0 [tilespmem:s4], [sflag:$0x5], $0x1, $0x38;
	[tilespmem:$0x12120] =	vst v63  }
0x11e: {  	s6 =	simm.s32 $0x0  }
0x11f: {  	s5 =	simm.s32 $0xC1;
	s6 =	simm.s32 @!p0 $0x4  }
.LBB2_23:
0x120: {  	v0 =	vld.msk [tilespmem:s5+$0x0], $0x1;
	s2 =	sadd.s32 $0xFFFFFFFF, s2;
	s3 =	sadd.s32 s3, s6  }
0x121: {  	p0 =	sne.s32 s2, $0x0;
	_ =	sdelay $0x3  }
0x122: {  	(v2sf) =	vpush v0, $0x0;
	_ =	sdelay $0xe  }
.Ltmp18:
0x123: {  	s7 =	spop (v2sf);
	(pc) =	sbr.rel @p0 .LBB2_23-.Ltmp18, $4  }
0x124: {  	s6 =	simm.s32 $0x0;
	p1 =	sgt.u32 s7, $0x23FFFFF  }
0x125: {  	s4 =	sadd.s32 $0x1, s4;
	s6 =	simm.s32 @!p1 $0x4;
	s8 =	sshrl.u32 @!p1 s7, $0x3  }
0x126: {  	s5 =	sadd.s32 $0x1, s5;
	s7 =	sand.u32 @!p1 $0x7, s7;
	s8 =	sadd.s32 @!p1 s1, s8  }
0x127: {  	[hbm4b:s8+s7] =	stream.linear.scatter @!p1 [tilespmem:s4], [sflag:$0x5], $0x1, $0x38;
	[tilespmem:$0x12120] =	vst v63  }
.LBB2_24:
0x128: {  	s1 =	sadd.s32 s3, s6  }
0x129: {  	s3 =	sshrl.u32 s1, $0x2  }
.LBB2_25:
0x12a: {  	s1 =	simm.s32 $0x5  }
0x12b: {  	_ =	swait.ge [sflag:s1], s3  }
0x12c: {  	s2 =	ssub.s32 $0x0, s3;
	[sflag:s1] =	ssyncset.done $0x0  }
0x12d: {  	[sflag:s1] =	ssyncadd.s32 s2  }
0x12e: {  	[sflag:s1] =	ssyncpa.u1 $0x1  }
0x12f: {  	s30 =	simm.s32 $0x1;
	_ =	sfence  }
0x130: {  	s31 =	simm.s32 $0x2;
	[sflag:s30] =	ssyncpa.u1 $0x1  }
0x131: {  	[sflag:s31] =	ssyncpa.u1 $0x1  }
0x132: {  	_ =	strace $0x90000047  }
0x133: {  	s0 =	sadd.s32 $0x100000, s0;
	[bflag:$0x2] =	sbarrier.arrive $0xFFFF  }
0x134: {  	[sflag:s0] =	ssyncadd.tile.s32 $0x1;
	_ =	shalt  }
.Lfunc_end2:
_tile_overlayer_lowered:
.L_overlay_start_2:
0x135: {  	(tag) =	ssettag $0x2  }
0x136: {  	s0 =	rddreg [dreg:$0x0];
	s2 =	stileid.u32  }
0x137: {  	s1 =	rddreg [dreg:$0x1];
	p0 =	sne.s32 s2, $0x0  }
0x138: {  	s3 =	rddreg [dreg:$0x2];
	[bflag:$0x3] =	sbarrier.arrive $0xFFFF;
	s2 =	simm.s32 @!p0 $0x1C01  }
0x139: {  	[timem:s3], [sflag:s2] =	dma.local @!p0 [hbm:s0], s1  }
0x13a: {  	s0 =	simm.s32 @!p0 $0x1  }
0x13b: {  	_ =	swait.ge @!p0 [sflag:s0], s1  }
0x13c: {  	s1 =	ssub.s32 @!p0 $0x0, s1;
	[sflag:s0] =	ssyncset.done @!p0 $0x0  }
0x13d: {  	[sflag:s0] =	ssyncadd.s32 @!p0 s1  }
0x13e: {  	[bflag:$0x3] =	sbarrier.arrive $0xFFFF  }
0x13f: {  	_ =	shalt  }

</sc_bundles>
